<compile_context>
chip_gen: v7x
topology: tpu7x:2x2x1
jax: 0.10.2.dev20260603
libtpu: 0.0.44.dev20260713+nightly
codegen_flags: <defaults>
</compile_context>

<pallas_src>
import functools

import jax
import jax.numpy as jnp
from jax import lax
from jax.experimental import pallas as pl
from jax.experimental.pallas import tpu as pltpu
from jax.experimental.pallas import tpu_sc as plsc

END_ID = 2
B = 128
V = 100000
T = 2048
NC = 2
NS = 16
L = 16
NW = NC * NS
BG = B // L

VT = 55296
CV = 6912
NB = VT // CV
VTAIL = V - VT
SPAN = 1400
V0_LAST = VTAIL - SPAN
CHUNKS = (360, 360, 360, 320)
CH_MAX = max(CHUNKS)

_mesh = plsc.VectorSubcoreMesh(core_axis_name="c", subcore_axis_name="s")


@functools.partial(
    pl.kernel,
    out_type=[
        jax.ShapeDtypeStruct((NW, B), jnp.float32),
        jax.ShapeDtypeStruct((NW, B), jnp.int32),
    ],
    mesh=_mesh,
    compiler_params=pltpu.CompilerParams(
        needs_layout_passes=False, skip_device_barrier=True),
    scratch_types=[
        pltpu.VMEM((CH_MAX, B), jnp.float32),
        pltpu.VMEM((CH_MAX, B), jnp.float32),
        pltpu.VMEM((B,), jnp.float32),
        pltpu.VMEM((B,), jnp.int32),
        pltpu.SemaphoreType.DMA,
        pltpu.SemaphoreType.DMA,
    ],
)
def _sc_scan(hid, valstage, idxstage, buf0, buf1, vrow, irow, sem0, sem1):
    wid = lax.axis_index("s") * NC + lax.axis_index("c")
    bufs, sems = (buf0, buf1), (sem0, sem1)
    v0 = pl.multiple_of(VT + jnp.minimum(wid * SPAN, V0_LAST), 8)

    offs = [0]
    for c in CHUNKS:
        offs.append(offs[-1] + c)

    def start(k):
        n = CHUNKS[k]
        return pltpu.async_copy(
            hid.at[pl.ds(v0 + offs[k], n)],
            bufs[k % 2].at[pl.ds(0, n)], sems[k % 2])

    vmaxs = [jnp.full((L,), -jnp.inf, jnp.float32) for _ in range(BG)]
    vjs = [jnp.zeros((L,), jnp.int32) for _ in range(BG)]

    handle = start(0)
    for k, n in enumerate(CHUNKS):
        nxt = start(k + 1) if k + 1 < len(CHUNKS) else None
        handle.wait()
        handle = nxt
        buf = bufs[k % 2]
        vbase = v0 + offs[k]

        def body(i, carry):
            vm, vj = carry
            jvec = jnp.full((L,), vbase + i, jnp.int32)
            nvm, nvj = [], []
            for g in range(BG):
                v = buf[i, pl.ds(g * L, L)]
                msk = v > vm[g]
                nvm.append(jnp.where(msk, v, vm[g]))
                nvj.append(jnp.where(msk, jvec, vj[g]))
            return tuple(nvm), tuple(nvj)

        vmaxs, vjs = plsc.parallel_loop(
            0, n, 1, unroll=2, carry=(tuple(vmaxs), tuple(vjs)))(body)
        vmaxs, vjs = list(vmaxs), list(vjs)

    for g in range(BG):
        vrow[pl.ds(g * L, L)] = vmaxs[g]
        irow[pl.ds(g * L, L)] = vjs[g]
    pltpu.sync_copy(vrow, valstage.at[wid])
    pltpu.sync_copy(irow, idxstage.at[wid])


def _tc_head_body(hid_ref, mout, iout):
    b = pl.program_id(0)
    x = hid_ref[...]
    bm = jnp.max(x, axis=0, keepdims=True)
    iota = lax.broadcasted_iota(jnp.int32, (CV, B), 0)
    bi = jnp.min(jnp.where(x == bm, iota, jnp.int32(2**31 - 1)),
                 axis=0, keepdims=True)
    mout[...] = bm.reshape(1, 1, B)
    iout[...] = (bi + b * CV).reshape(1, 1, B)


_tc_head = pl.pallas_call(
    _tc_head_body,
    grid=(NB,),
    in_specs=[pl.BlockSpec((CV, B), lambda i: (i, 0))],
    out_specs=[pl.BlockSpec((1, 1, B), lambda i: (i, 0, 0)),
               pl.BlockSpec((1, 1, B), lambda i: (i, 0, 0))],
    out_shape=[jax.ShapeDtypeStruct((NB, 1, B), jnp.float32),
               jax.ShapeDtypeStruct((NB, 1, B), jnp.int32)],
    compiler_params=pltpu.CompilerParams(
        dimension_semantics=("arbitrary",)),
)


def _tc_merge_body(scm, sci, tcm, tci, flg, upd, outin, out_ref, flout):
    m = tcm[0]
    g = tci[0]
    for bb in range(1, NB):
        m2 = tcm[bb]
        g2 = tci[bb]
        better = (m2 > m) | ((m2 == m) & (g2 < g))
        m = jnp.where(better, m2, m)
        g = jnp.where(better, g2, g)
    for w in range(NW):
        m2 = scm[pl.ds(w, 1), :]
        g2 = sci[pl.ds(w, 1), :]
        better = (m2 > m) | ((m2 == m) & (g2 < g))
        m = jnp.where(better, m2, m)
        g = jnp.where(better, g2, g)
    y = jnp.where(flg[...] != 0, g, jnp.full((1, B), END_ID, jnp.int32))
    flout[...] = (y != END_ID).astype(jnp.int32)
    out_ref[...] = outin[...]
    u = upd[0]
    base = pl.multiple_of((u // 128) * 128, 128)
    win = out_ref[:, pl.ds(base, 128)]
    cols = lax.broadcasted_iota(jnp.int32, (B, 128), 1)
    ybc = jnp.broadcast_to(y.reshape(B, 1), (B, 128))
    out_ref[:, pl.ds(base, 128)] = jnp.where(cols == (u - base), ybc, win)


_tc_merge = pl.pallas_call(
    _tc_merge_body,
    in_specs=[pl.BlockSpec((NW, B), lambda: (0, 0)),
              pl.BlockSpec((NW, B), lambda: (0, 0)),
              pl.BlockSpec((NB, 1, B), lambda: (0, 0, 0)),
              pl.BlockSpec((NB, 1, B), lambda: (0, 0, 0)),
              pl.BlockSpec((1, B), lambda: (0, 0)),
              pl.BlockSpec(memory_space=pltpu.SMEM),
              pl.BlockSpec((B, T), lambda: (0, 0))],
    out_specs=[pl.BlockSpec((B, T), lambda: (0, 0)),
               pl.BlockSpec((1, B), lambda: (0, 0))],
    out_shape=[jax.ShapeDtypeStruct((B, T), jnp.int32),
               jax.ShapeDtypeStruct((1, B), jnp.int32)],
)


def kernel(hidden_state, update_index, out_ids, flags):
    hid = jnp.transpose(hidden_state, (1, 2, 0)).reshape(V, B)
    upd = jnp.asarray(update_index, jnp.int32).reshape(1)
    flags128 = flags.reshape(1, B).astype(jnp.int32)
    scm, sci = _sc_scan(hid)
    tcm, tci = _tc_head(hid)
    out, flout = _tc_merge(scm, sci, tcm, tci, flags128, upd, out_ids)
    flags_new = flout.reshape(B, 1).astype(jnp.bool_)
    return out, flags_new

# --- scband reference (transcript-rebuilt; emitter-appended) ---
"""Pipeline reference for scband-greedy-search-37589553775342 (READ-ONLY COPY).

The authoritative reference and input builder live on the scoring server;
editing this copy changes nothing except your own understanding.
"""

import jax, jax.numpy as jnp
import numpy as np

END_TOKEN = 2

def setup_inputs(seed: int = 0) -> dict:
    key = jax.random.key(seed)
    k1, k2 = jax.random.split(key)
    hidden_state = jax.random.uniform(k1, (128, 1, 100000), dtype=jnp.float32, minval=1e-6, maxval=1.0)
    update_index = 100
    out_ids = jnp.zeros((128, 2048), dtype=jnp.int32)
    flags = jnp.ones((128, 1), dtype=jnp.bool_)
    return {"hidden_state": hidden_state, "update_index": update_index, "out_ids": out_ids, "flags": flags}

def reference(hidden_state, update_index, out_ids, flags):
    # GreedySearch.call: argmax over vocab, mask finished rows with end_token,
    # scatter-overwrite into out_ids at column update_index, recompute flags.
    y = jnp.argmax(hidden_state, axis=-1)            # [B, 1] int
    t = jnp.full_like(y, END_TOKEN)
    y = jnp.where(flags, y, t)                       # [B, 1]
    flags_new = y != END_TOKEN                       # [B, 1] bool
    updated = jax.lax.dynamic_update_slice(out_ids, y.astype(out_ids.dtype), (0, update_index))
    return (updated, flags_new)

if __name__ == "__main__":
    import jax
    _d = setup_inputs()
    print(jax.jit(kernel)(*tuple(_d.values())))

</pallas_src>

<mosaic_0001>
#map = affine_map<(d0, d1) -> (0, 0)>
module attributes {stable_mosaic.version = 14 : i64} {
  func.func @_sc_scan(%arg0: i32, %arg1: i32, %arg2: memref<100000x128xf32, #tpu.memory_space<hbm>>, %arg3: memref<32x128xf32, #tpu.memory_space<hbm>>, %arg4: memref<32x128xi32, #tpu.memory_space<hbm>>, %arg5: memref<360x128xf32, #tpu.memory_space<vmem>>, %arg6: memref<360x128xf32, #tpu.memory_space<vmem>>, %arg7: memref<128xf32, #tpu.memory_space<vmem>>, %arg8: memref<128xi32, #tpu.memory_space<vmem>>, %arg9: memref<!tpu.dma_semaphore, #tpu.memory_space<semaphore_mem>>, %arg10: memref<!tpu.dma_semaphore, #tpu.memory_space<semaphore_mem>>) attributes {dimension_semantics = [#tpu.dimension_semantics<core_parallel>, #tpu.dimension_semantics<subcore_parallel>], iteration_bounds = array<i64: 2, 16>, scalar_prefetch = 0 : i64, scratch_operands = 6 : i64, tpu.core_type = #tpu.core_type<sc_vector_subcore>, window_params = [{transform_indices = #map}, {transform_indices = #map}, {transform_indices = #map}]} {
    %mul3A = arith.constant 2 : i32
    %mul3A_0 = arith.muli %arg1, %mul3A : i32
    %add3A = arith.addi %mul3A_0, %arg0 : i32
    %mul3A_1 = arith.constant 1400 : i32
    %mul3A_2 = arith.muli %add3A, %mul3A_1 : i32
    %min3A = arith.constant 43304 : i32
    %min3A_3 = arith.minsi %mul3A_2, %min3A : i32
    %add3A_4 = arith.constant 55296 : i32
    %add3A_5 = arith.addi %add3A_4, %min3A_3 : i32
    %multiple_of3A = tpu.assume_multiple %add3A_5, 8 : i32
    %broadcast_in_dim3A = arith.constant 0xFF800000 : f32
    %broadcast_in_dim3A_6 = vector.broadcast %broadcast_in_dim3A : f32 to vector<16xf32>
    %broadcast_in_dim3A_7 = arith.constant 0xFF800000 : f32
    %broadcast_in_dim3A_8 = vector.broadcast %broadcast_in_dim3A_7 : f32 to vector<16xf32>
    %broadcast_in_dim3A_9 = arith.constant 0xFF800000 : f32
    %broadcast_in_dim3A_10 = vector.broadcast %broadcast_in_dim3A_9 : f32 to vector<16xf32>
    %broadcast_in_dim3A_11 = arith.constant 0xFF800000 : f32
    %broadcast_in_dim3A_12 = vector.broadcast %broadcast_in_dim3A_11 : f32 to vector<16xf32>
    %broadcast_in_dim3A_13 = arith.constant 0xFF800000 : f32
    %broadcast_in_dim3A_14 = vector.broadcast %broadcast_in_dim3A_13 : f32 to vector<16xf32>
    %broadcast_in_dim3A_15 = arith.constant 0xFF800000 : f32
    %broadcast_in_dim3A_16 = vector.broadcast %broadcast_in_dim3A_15 : f32 to vector<16xf32>
    %broadcast_in_dim3A_17 = arith.constant 0xFF800000 : f32
    %broadcast_in_dim3A_18 = vector.broadcast %broadcast_in_dim3A_17 : f32 to vector<16xf32>
    %broadcast_in_dim3A_19 = arith.constant 0xFF800000 : f32
    %broadcast_in_dim3A_20 = vector.broadcast %broadcast_in_dim3A_19 : f32 to vector<16xf32>
    %broadcast_in_dim3A_21 = arith.constant 0 : i32
    %broadcast_in_dim3A_22 = vector.broadcast %broadcast_in_dim3A_21 : i32 to vector<16xi32>
    %broadcast_in_dim3A_23 = arith.constant 0 : i32
    %broadcast_in_dim3A_24 = vector.broadcast %broadcast_in_dim3A_23 : i32 to vector<16xi32>
    %broadcast_in_dim3A_25 = arith.constant 0 : i32
    %broadcast_in_dim3A_26 = vector.broadcast %broadcast_in_dim3A_25 : i32 to vector<16xi32>
    %broadcast_in_dim3A_27 = arith.constant 0 : i32
    %broadcast_in_dim3A_28 = vector.broadcast %broadcast_in_dim3A_27 : i32 to vector<16xi32>
    %broadcast_in_dim3A_29 = arith.constant 0 : i32
    %broadcast_in_dim3A_30 = vector.broadcast %broadcast_in_dim3A_29 : i32 to vector<16xi32>
    %broadcast_in_dim3A_31 = arith.constant 0 : i32
    %broadcast_in_dim3A_32 = vector.broadcast %broadcast_in_dim3A_31 : i32 to vector<16xi32>
    %broadcast_in_dim3A_33 = arith.constant 0 : i32
    %broadcast_in_dim3A_34 = vector.broadcast %broadcast_in_dim3A_33 : i32 to vector<16xi32>
    %broadcast_in_dim3A_35 = arith.constant 0 : i32
    %broadcast_in_dim3A_36 = vector.broadcast %broadcast_in_dim3A_35 : i32 to vector<16xi32>
    %add3A_37 = arith.constant 0 : i32
    %add3A_38 = arith.addi %multiple_of3A, %add3A_37 : i32
    %dma_start3A = arith.constant 0 : i32
    %dma_start3A_39 = arith.constant 0 : i32
    %dma_start3A_40 = tpu.memref_slice %arg5[%dma_start3A, %dma_start3A_39] : memref<360x128xf32, #tpu.memory_space<vmem>> -> memref<360x128xf32, #tpu.memory_space<vmem>>
    %dma_start3A_41 = arith.constant 0 : i32
    %dma_start3A_42 = tpu.memref_slice %arg2[%add3A_38, %dma_start3A_41] : memref<100000x128xf32, #tpu.memory_space<hbm>> -> memref<360x128xf32, #tpu.memory_space<hbm>>
    %dma_start3A_43 = arith.constant 0 : i32
    %dma_start3A_44 = arith.constant 0 : i32
    %dma_start3A_45 = tpu.memref_slice %arg5[%dma_start3A_43, %dma_start3A_44] : memref<360x128xf32, #tpu.memory_space<vmem>> -> memref<360x128xf32, #tpu.memory_space<vmem>>
    %dma_start3A_46 = arith.constant 0 : i32
    %dma_start3A_47 = tpu.memref_slice %arg2[%add3A_38, %dma_start3A_46] : memref<100000x128xf32, #tpu.memory_space<hbm>> -> memref<360x128xf32, #tpu.memory_space<hbm>>
    tpu.enqueue_dma source(%dma_start3A_47 : memref<360x128xf32, #tpu.memory_space<hbm>>) target(%dma_start3A_45 : memref<360x128xf32, #tpu.memory_space<vmem>>) target_semaphore(%arg9 : memref<!tpu.dma_semaphore, #tpu.memory_space<semaphore_mem>>)
    %add3A_48 = arith.constant 360 : i32
    %add3A_49 = arith.addi %multiple_of3A, %add3A_48 : i32
    %dma_start3A_50 = arith.constant 0 : i32
    %dma_start3A_51 = arith.constant 0 : i32
    %dma_start3A_52 = tpu.memref_slice %arg6[%dma_start3A_50, %dma_start3A_51] : memref<360x128xf32, #tpu.memory_space<vmem>> -> memref<360x128xf32, #tpu.memory_space<vmem>>
    %dma_start3A_53 = arith.constant 0 : i32
    %dma_start3A_54 = tpu.memref_slice %arg2[%add3A_49, %dma_start3A_53] : memref<100000x128xf32, #tpu.memory_space<hbm>> -> memref<360x128xf32, #tpu.memory_space<hbm>>
    %dma_start3A_55 = arith.constant 0 : i32
    %dma_start3A_56 = arith.constant 0 : i32
    %dma_start3A_57 = tpu.memref_slice %arg6[%dma_start3A_55, %dma_start3A_56] : memref<360x128xf32, #tpu.memory_space<vmem>> -> memref<360x128xf32, #tpu.memory_space<vmem>>
    %dma_start3A_58 = arith.constant 0 : i32
    %dma_start3A_59 = tpu.memref_slice %arg2[%add3A_49, %dma_start3A_58] : memref<100000x128xf32, #tpu.memory_space<hbm>> -> memref<360x128xf32, #tpu.memory_space<hbm>>
    tpu.enqueue_dma source(%dma_start3A_59 : memref<360x128xf32, #tpu.memory_space<hbm>>) target(%dma_start3A_57 : memref<360x128xf32, #tpu.memory_space<vmem>>) target_semaphore(%arg10 : memref<!tpu.dma_semaphore, #tpu.memory_space<semaphore_mem>>)
    %dma_wait3A = arith.constant 0 : i32
    %dma_wait3A_60 = arith.constant 0 : i32
    %dma_wait3A_61 = tpu.memref_slice %arg5[%dma_wait3A, %dma_wait3A_60] : memref<360x128xf32, #tpu.memory_space<vmem>> -> memref<360x128xf32, #tpu.memory_space<vmem>>
    %dma_wait3A_62 = arith.constant 0 : i32
    %dma_wait3A_63 = tpu.memref_slice %arg2[%add3A_38, %dma_wait3A_62] : memref<100000x128xf32, #tpu.memory_space<hbm>> -> memref<360x128xf32, #tpu.memory_space<hbm>>
    %dma_wait3A_64 = arith.constant 0 : i32
    %dma_wait3A_65 = arith.constant 0 : i32
    %dma_wait3A_66 = tpu.memref_slice %arg5[%dma_wait3A_64, %dma_wait3A_65] : memref<360x128xf32, #tpu.memory_space<vmem>> -> memref<360x128xf32, #tpu.memory_space<vmem>>
    %dma_wait3A_67 = arith.constant 0 : i32
    %dma_wait3A_68 = tpu.memref_slice %arg2[%add3A_38, %dma_wait3A_67] : memref<100000x128xf32, #tpu.memory_space<hbm>> -> memref<360x128xf32, #tpu.memory_space<hbm>>
    tpu.wait_dma2 semaphore(%arg9 : memref<!tpu.dma_semaphore, #tpu.memory_space<semaphore_mem>>) src(%dma_wait3A_68 : memref<360x128xf32, #tpu.memory_space<hbm>>) dst(%dma_wait3A_66 : memref<360x128xf32, #tpu.memory_space<vmem>>)
    %add3A_69 = arith.constant 0 : i32
    %add3A_70 = arith.addi %multiple_of3A, %add3A_69 : i32
    %parallel_loop3A = arith.constant 0 : i32
    %parallel_loop3A_71 = arith.constant 360 : i32
    %parallel_loop3A_72 = arith.constant 1 : i32
    %parallel_loop3A_73:16 = scf.for %parallel_loop3A_177 = %parallel_loop3A to %parallel_loop3A_71 step %parallel_loop3A_72 iter_args(%parallel_loop3A_178 = %broadcast_in_dim3A_6, %parallel_loop3A_179 = %broadcast_in_dim3A_8, %parallel_loop3A_180 = %broadcast_in_dim3A_10, %parallel_loop3A_181 = %broadcast_in_dim3A_12, %parallel_loop3A_182 = %broadcast_in_dim3A_14, %parallel_loop3A_183 = %broadcast_in_dim3A_16, %parallel_loop3A_184 = %broadcast_in_dim3A_18, %parallel_loop3A_185 = %broadcast_in_dim3A_20, %parallel_loop3A_186 = %broadcast_in_dim3A_22, %parallel_loop3A_187 = %broadcast_in_dim3A_24, %parallel_loop3A_188 = %broadcast_in_dim3A_26, %parallel_loop3A_189 = %broadcast_in_dim3A_28, %parallel_loop3A_190 = %broadcast_in_dim3A_30, %parallel_loop3A_191 = %broadcast_in_dim3A_32, %parallel_loop3A_192 = %broadcast_in_dim3A_34, %parallel_loop3A_193 = %broadcast_in_dim3A_36) -> (vector<16xf32>, vector<16xf32>, vector<16xf32>, vector<16xf32>, vector<16xf32>, vector<16xf32>, vector<16xf32>, vector<16xf32>, vector<16xi32>, vector<16xi32>, vector<16xi32>, vector<16xi32>, vector<16xi32>, vector<16xi32>, vector<16xi32>, vector<16xi32>)  : i32 {
      %parallel_loop3A_194 = arith.addi %add3A_70, %parallel_loop3A_177 : i32
      %parallel_loop3A_195 = vector.broadcast %parallel_loop3A_194 : i32 to vector<16xi32>
      %parallel_loop3A_196 = arith.index_cast %parallel_loop3A_177 : i32 to index
      %parallel_loop3A_197 = arith.constant 0 : index
      %parallel_loop3A_198 = tpu.vector_load %arg5[%parallel_loop3A_196, %parallel_loop3A_197] {strides = array<i32>} : memref<360x128xf32, #tpu.memory_space<vmem>>, vector<16xf32>,
      %parallel_loop3A_199 = arith.cmpf ogt, %parallel_loop3A_198, %parallel_loop3A_178 : vector<16xf32>
      %parallel_loop3A_200 = arith.select %parallel_loop3A_199, %parallel_loop3A_198, %parallel_loop3A_178 : vector<16xi1>, vector<16xf32>
      %parallel_loop3A_201 = arith.select %parallel_loop3A_199, %parallel_loop3A_195, %parallel_loop3A_186 : vector<16xi1>, vector<16xi32>
      %parallel_loop3A_202 = arith.index_cast %parallel_loop3A_177 : i32 to index
      %parallel_loop3A_203 = arith.constant 16 : index
      %parallel_loop3A_204 = tpu.vector_load %arg5[%parallel_loop3A_202, %parallel_loop3A_203] {strides = array<i32>} : memref<360x128xf32, #tpu.memory_space<vmem>>, vector<16xf32>,
      %parallel_loop3A_205 = arith.cmpf ogt, %parallel_loop3A_204, %parallel_loop3A_179 : vector<16xf32>
      %parallel_loop3A_206 = arith.select %parallel_loop3A_205, %parallel_loop3A_204, %parallel_loop3A_179 : vector<16xi1>, vector<16xf32>
      %parallel_loop3A_207 = arith.select %parallel_loop3A_205, %parallel_loop3A_195, %parallel_loop3A_187 : vector<16xi1>, vector<16xi32>
      %parallel_loop3A_208 = arith.index_cast %parallel_loop3A_177 : i32 to index
      %parallel_loop3A_209 = arith.constant 32 : index
      %parallel_loop3A_210 = tpu.vector_load %arg5[%parallel_loop3A_208, %parallel_loop3A_209] {strides = array<i32>} : memref<360x128xf32, #tpu.memory_space<vmem>>, vector<16xf32>,
      %parallel_loop3A_211 = arith.cmpf ogt, %parallel_loop3A_210, %parallel_loop3A_180 : vector<16xf32>
      %parallel_loop3A_212 = arith.select %parallel_loop3A_211, %parallel_loop3A_210, %parallel_loop3A_180 : vector<16xi1>, vector<16xf32>
      %parallel_loop3A_213 = arith.select %parallel_loop3A_211, %parallel_loop3A_195, %parallel_loop3A_188 : vector<16xi1>, vector<16xi32>
      %parallel_loop3A_214 = arith.index_cast %parallel_loop3A_177 : i32 to index
      %parallel_loop3A_215 = arith.constant 48 : index
      %parallel_loop3A_216 = tpu.vector_load %arg5[%parallel_loop3A_214, %parallel_loop3A_215] {strides = array<i32>} : memref<360x128xf32, #tpu.memory_space<vmem>>, vector<16xf32>,
      %parallel_loop3A_217 = arith.cmpf ogt, %parallel_loop3A_216, %parallel_loop3A_181 : vector<16xf32>
      %parallel_loop3A_218 = arith.select %parallel_loop3A_217, %parallel_loop3A_216, %parallel_loop3A_181 : vector<16xi1>, vector<16xf32>
      %parallel_loop3A_219 = arith.select %parallel_loop3A_217, %parallel_loop3A_195, %parallel_loop3A_189 : vector<16xi1>, vector<16xi32>
      %parallel_loop3A_220 = arith.index_cast %parallel_loop3A_177 : i32 to index
      %parallel_loop3A_221 = arith.constant 64 : index
      %parallel_loop3A_222 = tpu.vector_load %arg5[%parallel_loop3A_220, %parallel_loop3A_221] {strides = array<i32>} : memref<360x128xf32, #tpu.memory_space<vmem>>, vector<16xf32>,
      %parallel_loop3A_223 = arith.cmpf ogt, %parallel_loop3A_222, %parallel_loop3A_182 : vector<16xf32>
      %parallel_loop3A_224 = arith.select %parallel_loop3A_223, %parallel_loop3A_222, %parallel_loop3A_182 : vector<16xi1>, vector<16xf32>
      %parallel_loop3A_225 = arith.select %parallel_loop3A_223, %parallel_loop3A_195, %parallel_loop3A_190 : vector<16xi1>, vector<16xi32>
      %parallel_loop3A_226 = arith.index_cast %parallel_loop3A_177 : i32 to index
      %parallel_loop3A_227 = arith.constant 80 : index
      %parallel_loop3A_228 = tpu.vector_load %arg5[%parallel_loop3A_226, %parallel_loop3A_227] {strides = array<i32>} : memref<360x128xf32, #tpu.memory_space<vmem>>, vector<16xf32>,
      %parallel_loop3A_229 = arith.cmpf ogt, %parallel_loop3A_228, %parallel_loop3A_183 : vector<16xf32>
      %parallel_loop3A_230 = arith.select %parallel_loop3A_229, %parallel_loop3A_228, %parallel_loop3A_183 : vector<16xi1>, vector<16xf32>
      %parallel_loop3A_231 = arith.select %parallel_loop3A_229, %parallel_loop3A_195, %parallel_loop3A_191 : vector<16xi1>, vector<16xi32>
      %parallel_loop3A_232 = arith.index_cast %parallel_loop3A_177 : i32 to index
      %parallel_loop3A_233 = arith.constant 96 : index
      %parallel_loop3A_234 = tpu.vector_load %arg5[%parallel_loop3A_232, %parallel_loop3A_233] {strides = array<i32>} : memref<360x128xf32, #tpu.memory_space<vmem>>, vector<16xf32>,
      %parallel_loop3A_235 = arith.cmpf ogt, %parallel_loop3A_234, %parallel_loop3A_184 : vector<16xf32>
      %parallel_loop3A_236 = arith.select %parallel_loop3A_235, %parallel_loop3A_234, %parallel_loop3A_184 : vector<16xi1>, vector<16xf32>
      %parallel_loop3A_237 = arith.select %parallel_loop3A_235, %parallel_loop3A_195, %parallel_loop3A_192 : vector<16xi1>, vector<16xi32>
      %parallel_loop3A_238 = arith.index_cast %parallel_loop3A_177 : i32 to index
      %parallel_loop3A_239 = arith.constant 112 : index
      %parallel_loop3A_240 = tpu.vector_load %arg5[%parallel_loop3A_238, %parallel_loop3A_239] {strides = array<i32>} : memref<360x128xf32, #tpu.memory_space<vmem>>, vector<16xf32>,
      %parallel_loop3A_241 = arith.cmpf ogt, %parallel_loop3A_240, %parallel_loop3A_185 : vector<16xf32>
      %parallel_loop3A_242 = arith.select %parallel_loop3A_241, %parallel_loop3A_240, %parallel_loop3A_185 : vector<16xi1>, vector<16xf32>
      %parallel_loop3A_243 = arith.select %parallel_loop3A_241, %parallel_loop3A_195, %parallel_loop3A_193 : vector<16xi1>, vector<16xi32>
      scf.yield %parallel_loop3A_200, %parallel_loop3A_206, %parallel_loop3A_212, %parallel_loop3A_218, %parallel_loop3A_224, %parallel_loop3A_230, %parallel_loop3A_236, %parallel_loop3A_242, %parallel_loop3A_201, %parallel_loop3A_207, %parallel_loop3A_213, %parallel_loop3A_219, %parallel_loop3A_225, %parallel_loop3A_231, %parallel_loop3A_237, %parallel_loop3A_243 : vector<16xf32>, vector<16xf32>, vector<16xf32>, vector<16xf32>, vector<16xf32>, vector<16xf32>, vector<16xf32>, vector<16xf32>, vector<16xi32>, vector<16xi32>, vector<16xi32>, vector<16xi32>, vector<16xi32>, vector<16xi32>, vector<16xi32>, vector<16xi32>
    } {sc.loop_unroll_factor = 2 : i64, sc.parallel_access}
    %add3A_74 = arith.constant 720 : i32
    %add3A_75 = arith.addi %multiple_of3A, %add3A_74 : i32
    %dma_start3A_76 = arith.constant 0 : i32
    %dma_start3A_77 = arith.constant 0 : i32
    %dma_start3A_78 = tpu.memref_slice %arg5[%dma_start3A_76, %dma_start3A_77] : memref<360x128xf32, #tpu.memory_space<vmem>> -> memref<360x128xf32, #tpu.memory_space<vmem>>
    %dma_start3A_79 = arith.constant 0 : i32
    %dma_start3A_80 = tpu.memref_slice %arg2[%add3A_75, %dma_start3A_79] : memref<100000x128xf32, #tpu.memory_space<hbm>> -> memref<360x128xf32, #tpu.memory_space<hbm>>
    %dma_start3A_81 = arith.constant 0 : i32
    %dma_start3A_82 = arith.constant 0 : i32
    %dma_start3A_83 = tpu.memref_slice %arg5[%dma_start3A_81, %dma_start3A_82] : memref<360x128xf32, #tpu.memory_space<vmem>> -> memref<360x128xf32, #tpu.memory_space<vmem>>
    %dma_start3A_84 = arith.constant 0 : i32
    %dma_start3A_85 = tpu.memref_slice %arg2[%add3A_75, %dma_start3A_84] : memref<100000x128xf32, #tpu.memory_space<hbm>> -> memref<360x128xf32, #tpu.memory_space<hbm>>
    tpu.enqueue_dma source(%dma_start3A_85 : memref<360x128xf32, #tpu.memory_space<hbm>>) target(%dma_start3A_83 : memref<360x128xf32, #tpu.memory_space<vmem>>) target_semaphore(%arg9 : memref<!tpu.dma_semaphore, #tpu.memory_space<semaphore_mem>>)
    %dma_wait3A_86 = arith.constant 0 : i32
    %dma_wait3A_87 = arith.constant 0 : i32
    %dma_wait3A_88 = tpu.memref_slice %arg6[%dma_wait3A_86, %dma_wait3A_87] : memref<360x128xf32, #tpu.memory_space<vmem>> -> memref<360x128xf32, #tpu.memory_space<vmem>>
    %dma_wait3A_89 = arith.constant 0 : i32
    %dma_wait3A_90 = tpu.memref_slice %arg2[%add3A_49, %dma_wait3A_89] : memref<100000x128xf32, #tpu.memory_space<hbm>> -> memref<360x128xf32, #tpu.memory_space<hbm>>
    %dma_wait3A_91 = arith.constant 0 : i32
    %dma_wait3A_92 = arith.constant 0 : i32
    %dma_wait3A_93 = tpu.memref_slice %arg6[%dma_wait3A_91, %dma_wait3A_92] : memref<360x128xf32, #tpu.memory_space<vmem>> -> memref<360x128xf32, #tpu.memory_space<vmem>>
    %dma_wait3A_94 = arith.constant 0 : i32
    %dma_wait3A_95 = tpu.memref_slice %arg2[%add3A_49, %dma_wait3A_94] : memref<100000x128xf32, #tpu.memory_space<hbm>> -> memref<360x128xf32, #tpu.memory_space<hbm>>
    tpu.wait_dma2 semaphore(%arg10 : memref<!tpu.dma_semaphore, #tpu.memory_space<semaphore_mem>>) src(%dma_wait3A_95 : memref<360x128xf32, #tpu.memory_space<hbm>>) dst(%dma_wait3A_93 : memref<360x128xf32, #tpu.memory_space<vmem>>)
    %add3A_96 = arith.constant 360 : i32
    %add3A_97 = arith.addi %multiple_of3A, %add3A_96 : i32
    %parallel_loop3A_98 = arith.constant 0 : i32
    %parallel_loop3A_99 = arith.constant 360 : i32
    %parallel_loop3A_100 = arith.constant 1 : i32
    %parallel_loop3A_101:16 = scf.for %parallel_loop3A_177 = %parallel_loop3A_98 to %parallel_loop3A_99 step %parallel_loop3A_100 iter_args(%parallel_loop3A_178 = %parallel_loop3A_73#0, %parallel_loop3A_179 = %parallel_loop3A_73#1, %parallel_loop3A_180 = %parallel_loop3A_73#2, %parallel_loop3A_181 = %parallel_loop3A_73#3, %parallel_loop3A_182 = %parallel_loop3A_73#4, %parallel_loop3A_183 = %parallel_loop3A_73#5, %parallel_loop3A_184 = %parallel_loop3A_73#6, %parallel_loop3A_185 = %parallel_loop3A_73#7, %parallel_loop3A_186 = %parallel_loop3A_73#8, %parallel_loop3A_187 = %parallel_loop3A_73#9, %parallel_loop3A_188 = %parallel_loop3A_73#10, %parallel_loop3A_189 = %parallel_loop3A_73#11, %parallel_loop3A_190 = %parallel_loop3A_73#12, %parallel_loop3A_191 = %parallel_loop3A_73#13, %parallel_loop3A_192 = %parallel_loop3A_73#14, %parallel_loop3A_193 = %parallel_loop3A_73#15) -> (vector<16xf32>, vector<16xf32>, vector<16xf32>, vector<16xf32>, vector<16xf32>, vector<16xf32>, vector<16xf32>, vector<16xf32>, vector<16xi32>, vector<16xi32>, vector<16xi32>, vector<16xi32>, vector<16xi32>, vector<16xi32>, vector<16xi32>, vector<16xi32>)  : i32 {
      %parallel_loop3A_194 = arith.addi %add3A_97, %parallel_loop3A_177 : i32
      %parallel_loop3A_195 = vector.broadcast %parallel_loop3A_194 : i32 to vector<16xi32>
      %parallel_loop3A_196 = arith.index_cast %parallel_loop3A_177 : i32 to index
      %parallel_loop3A_197 = arith.constant 0 : index
      %parallel_loop3A_198 = tpu.vector_load %arg6[%parallel_loop3A_196, %parallel_loop3A_197] {strides = array<i32>} : memref<360x128xf32, #tpu.memory_space<vmem>>, vector<16xf32>,
      %parallel_loop3A_199 = arith.cmpf ogt, %parallel_loop3A_198, %parallel_loop3A_178 : vector<16xf32>
      %parallel_loop3A_200 = arith.select %parallel_loop3A_199, %parallel_loop3A_198, %parallel_loop3A_178 : vector<16xi1>, vector<16xf32>
      %parallel_loop3A_201 = arith.select %parallel_loop3A_199, %parallel_loop3A_195, %parallel_loop3A_186 : vector<16xi1>, vector<16xi32>
      %parallel_loop3A_202 = arith.index_cast %parallel_loop3A_177 : i32 to index
      %parallel_loop3A_203 = arith.constant 16 : index
      %parallel_loop3A_204 = tpu.vector_load %arg6[%parallel_loop3A_202, %parallel_loop3A_203] {strides = array<i32>} : memref<360x128xf32, #tpu.memory_space<vmem>>, vector<16xf32>,
      %parallel_loop3A_205 = arith.cmpf ogt, %parallel_loop3A_204, %parallel_loop3A_179 : vector<16xf32>
      %parallel_loop3A_206 = arith.select %parallel_loop3A_205, %parallel_loop3A_204, %parallel_loop3A_179 : vector<16xi1>, vector<16xf32>
      %parallel_loop3A_207 = arith.select %parallel_loop3A_205, %parallel_loop3A_195, %parallel_loop3A_187 : vector<16xi1>, vector<16xi32>
      %parallel_loop3A_208 = arith.index_cast %parallel_loop3A_177 : i32 to index
      %parallel_loop3A_209 = arith.constant 32 : index
      %parallel_loop3A_210 = tpu.vector_load %arg6[%parallel_loop3A_208, %parallel_loop3A_209] {strides = array<i32>} : memref<360x128xf32, #tpu.memory_space<vmem>>, vector<16xf32>,
      %parallel_loop3A_211 = arith.cmpf ogt, %parallel_loop3A_210, %parallel_loop3A_180 : vector<16xf32>
      %parallel_loop3A_212 = arith.select %parallel_loop3A_211, %parallel_loop3A_210, %parallel_loop3A_180 : vector<16xi1>, vector<16xf32>
      %parallel_loop3A_213 = arith.select %parallel_loop3A_211, %parallel_loop3A_195, %parallel_loop3A_188 : vector<16xi1>, vector<16xi32>
      %parallel_loop3A_214 = arith.index_cast %parallel_loop3A_177 : i32 to index
      %parallel_loop3A_215 = arith.constant 48 : index
      %parallel_loop3A_216 = tpu.vector_load %arg6[%parallel_loop3A_214, %parallel_loop3A_215] {strides = array<i32>} : memref<360x128xf32, #tpu.memory_space<vmem>>, vector<16xf32>,
      %parallel_loop3A_217 = arith.cmpf ogt, %parallel_loop3A_216, %parallel_loop3A_181 : vector<16xf32>
      %parallel_loop3A_218 = arith.select %parallel_loop3A_217, %parallel_loop3A_216, %parallel_loop3A_181 : vector<16xi1>, vector<16xf32>
      %parallel_loop3A_219 = arith.select %parallel_loop3A_217, %parallel_loop3A_195, %parallel_loop3A_189 : vector<16xi1>, vector<16xi32>
      %parallel_loop3A_220 = arith.index_cast %parallel_loop3A_177 : i32 to index
      %parallel_loop3A_221 = arith.constant 64 : index
      %parallel_loop3A_222 = tpu.vector_load %arg6[%parallel_loop3A_220, %parallel_loop3A_221] {strides = array<i32>} : memref<360x128xf32, #tpu.memory_space<vmem>>, vector<16xf32>,
      %parallel_loop3A_223 = arith.cmpf ogt, %parallel_loop3A_222, %parallel_loop3A_182 : vector<16xf32>
      %parallel_loop3A_224 = arith.select %parallel_loop3A_223, %parallel_loop3A_222, %parallel_loop3A_182 : vector<16xi1>, vector<16xf32>
      %parallel_loop3A_225 = arith.select %parallel_loop3A_223, %parallel_loop3A_195, %parallel_loop3A_190 : vector<16xi1>, vector<16xi32>
      %parallel_loop3A_226 = arith.index_cast %parallel_loop3A_177 : i32 to index
      %parallel_loop3A_227 = arith.constant 80 : index
      %parallel_loop3A_228 = tpu.vector_load %arg6[%parallel_loop3A_226, %parallel_loop3A_227] {strides = array<i32>} : memref<360x128xf32, #tpu.memory_space<vmem>>, vector<16xf32>,
      %parallel_loop3A_229 = arith.cmpf ogt, %parallel_loop3A_228, %parallel_loop3A_183 : vector<16xf32>
      %parallel_loop3A_230 = arith.select %parallel_loop3A_229, %parallel_loop3A_228, %parallel_loop3A_183 : vector<16xi1>, vector<16xf32>
      %parallel_loop3A_231 = arith.select %parallel_loop3A_229, %parallel_loop3A_195, %parallel_loop3A_191 : vector<16xi1>, vector<16xi32>
      %parallel_loop3A_232 = arith.index_cast %parallel_loop3A_177 : i32 to index
      %parallel_loop3A_233 = arith.constant 96 : index
      %parallel_loop3A_234 = tpu.vector_load %arg6[%parallel_loop3A_232, %parallel_loop3A_233] {strides = array<i32>} : memref<360x128xf32, #tpu.memory_space<vmem>>, vector<16xf32>,
      %parallel_loop3A_235 = arith.cmpf ogt, %parallel_loop3A_234, %parallel_loop3A_184 : vector<16xf32>
      %parallel_loop3A_236 = arith.select %parallel_loop3A_235, %parallel_loop3A_234, %parallel_loop3A_184 : vector<16xi1>, vector<16xf32>
      %parallel_loop3A_237 = arith.select %parallel_loop3A_235, %parallel_loop3A_195, %parallel_loop3A_192 : vector<16xi1>, vector<16xi32>
      %parallel_loop3A_238 = arith.index_cast %parallel_loop3A_177 : i32 to index
      %parallel_loop3A_239 = arith.constant 112 : index
      %parallel_loop3A_240 = tpu.vector_load %arg6[%parallel_loop3A_238, %parallel_loop3A_239] {strides = array<i32>} : memref<360x128xf32, #tpu.memory_space<vmem>>, vector<16xf32>,
      %parallel_loop3A_241 = arith.cmpf ogt, %parallel_loop3A_240, %parallel_loop3A_185 : vector<16xf32>
      %parallel_loop3A_242 = arith.select %parallel_loop3A_241, %parallel_loop3A_240, %parallel_loop3A_185 : vector<16xi1>, vector<16xf32>
      %parallel_loop3A_243 = arith.select %parallel_loop3A_241, %parallel_loop3A_195, %parallel_loop3A_193 : vector<16xi1>, vector<16xi32>
      scf.yield %parallel_loop3A_200, %parallel_loop3A_206, %parallel_loop3A_212, %parallel_loop3A_218, %parallel_loop3A_224, %parallel_loop3A_230, %parallel_loop3A_236, %parallel_loop3A_242, %parallel_loop3A_201, %parallel_loop3A_207, %parallel_loop3A_213, %parallel_loop3A_219, %parallel_loop3A_225, %parallel_loop3A_231, %parallel_loop3A_237, %parallel_loop3A_243 : vector<16xf32>, vector<16xf32>, vector<16xf32>, vector<16xf32>, vector<16xf32>, vector<16xf32>, vector<16xf32>, vector<16xf32>, vector<16xi32>, vector<16xi32>, vector<16xi32>, vector<16xi32>, vector<16xi32>, vector<16xi32>, vector<16xi32>, vector<16xi32>
    } {sc.loop_unroll_factor = 2 : i64, sc.parallel_access}
    %add3A_102 = arith.constant 1080 : i32
    %add3A_103 = arith.addi %multiple_of3A, %add3A_102 : i32
    %dma_start3A_104 = arith.constant 0 : i32
    %dma_start3A_105 = arith.constant 0 : i32
    %dma_start3A_106 = tpu.memref_slice %arg6[%dma_start3A_104, %dma_start3A_105] : memref<360x128xf32, #tpu.memory_space<vmem>> -> memref<320x128xf32, #tpu.memory_space<vmem>>
    %dma_start3A_107 = arith.constant 0 : i32
    %dma_start3A_108 = tpu.memref_slice %arg2[%add3A_103, %dma_start3A_107] : memref<100000x128xf32, #tpu.memory_space<hbm>> -> memref<320x128xf32, #tpu.memory_space<hbm>>
    %dma_start3A_109 = arith.constant 0 : i32
    %dma_start3A_110 = arith.constant 0 : i32
    %dma_start3A_111 = tpu.memref_slice %arg6[%dma_start3A_109, %dma_start3A_110] : memref<360x128xf32, #tpu.memory_space<vmem>> -> memref<320x128xf32, #tpu.memory_space<vmem>>
    %dma_start3A_112 = arith.constant 0 : i32
    %dma_start3A_113 = tpu.memref_slice %arg2[%add3A_103, %dma_start3A_112] : memref<100000x128xf32, #tpu.memory_space<hbm>> -> memref<320x128xf32, #tpu.memory_space<hbm>>
    tpu.enqueue_dma source(%dma_start3A_113 : memref<320x128xf32, #tpu.memory_space<hbm>>) target(%dma_start3A_111 : memref<320x128xf32, #tpu.memory_space<vmem>>) target_semaphore(%arg10 : memref<!tpu.dma_semaphore, #tpu.memory_space<semaphore_mem>>)
    %dma_wait3A_114 = arith.constant 0 : i32
    %dma_wait3A_115 = arith.constant 0 : i32
    %dma_wait3A_116 = tpu.memref_slice %arg5[%dma_wait3A_114, %dma_wait3A_115] : memref<360x128xf32, #tpu.memory_space<vmem>> -> memref<360x128xf32, #tpu.memory_space<vmem>>
    %dma_wait3A_117 = arith.constant 0 : i32
    %dma_wait3A_118 = tpu.memref_slice %arg2[%add3A_75, %dma_wait3A_117] : memref<100000x128xf32, #tpu.memory_space<hbm>> -> memref<360x128xf32, #tpu.memory_space<hbm>>
    %dma_wait3A_119 = arith.constant 0 : i32
    %dma_wait3A_120 = arith.constant 0 : i32
    %dma_wait3A_121 = tpu.memref_slice %arg5[%dma_wait3A_119, %dma_wait3A_120] : memref<360x128xf32, #tpu.memory_space<vmem>> -> memref<360x128xf32, #tpu.memory_space<vmem>>
    %dma_wait3A_122 = arith.constant 0 : i32
    %dma_wait3A_123 = tpu.memref_slice %arg2[%add3A_75, %dma_wait3A_122] : memref<100000x128xf32, #tpu.memory_space<hbm>> -> memref<360x128xf32, #tpu.memory_space<hbm>>
    tpu.wait_dma2 semaphore(%arg9 : memref<!tpu.dma_semaphore, #tpu.memory_space<semaphore_mem>>) src(%dma_wait3A_123 : memref<360x128xf32, #tpu.memory_space<hbm>>) dst(%dma_wait3A_121 : memref<360x128xf32, #tpu.memory_space<vmem>>)
    %add3A_124 = arith.constant 720 : i32
    %add3A_125 = arith.addi %multiple_of3A, %add3A_124 : i32
    %parallel_loop3A_126 = arith.constant 0 : i32
    %parallel_loop3A_127 = arith.constant 360 : i32
    %parallel_loop3A_128 = arith.constant 1 : i32
    %parallel_loop3A_129:16 = scf.for %parallel_loop3A_177 = %parallel_loop3A_126 to %parallel_loop3A_127 step %parallel_loop3A_128 iter_args(%parallel_loop3A_178 = %parallel_loop3A_101#0, %parallel_loop3A_179 = %parallel_loop3A_101#1, %parallel_loop3A_180 = %parallel_loop3A_101#2, %parallel_loop3A_181 = %parallel_loop3A_101#3, %parallel_loop3A_182 = %parallel_loop3A_101#4, %parallel_loop3A_183 = %parallel_loop3A_101#5, %parallel_loop3A_184 = %parallel_loop3A_101#6, %parallel_loop3A_185 = %parallel_loop3A_101#7, %parallel_loop3A_186 = %parallel_loop3A_101#8, %parallel_loop3A_187 = %parallel_loop3A_101#9, %parallel_loop3A_188 = %parallel_loop3A_101#10, %parallel_loop3A_189 = %parallel_loop3A_101#11, %parallel_loop3A_190 = %parallel_loop3A_101#12, %parallel_loop3A_191 = %parallel_loop3A_101#13, %parallel_loop3A_192 = %parallel_loop3A_101#14, %parallel_loop3A_193 = %parallel_loop3A_101#15) -> (vector<16xf32>, vector<16xf32>, vector<16xf32>, vector<16xf32>, vector<16xf32>, vector<16xf32>, vector<16xf32>, vector<16xf32>, vector<16xi32>, vector<16xi32>, vector<16xi32>, vector<16xi32>, vector<16xi32>, vector<16xi32>, vector<16xi32>, vector<16xi32>)  : i32 {
      %parallel_loop3A_194 = arith.addi %add3A_125, %parallel_loop3A_177 : i32
      %parallel_loop3A_195 = vector.broadcast %parallel_loop3A_194 : i32 to vector<16xi32>
      %parallel_loop3A_196 = arith.index_cast %parallel_loop3A_177 : i32 to index
      %parallel_loop3A_197 = arith.constant 0 : index
      %parallel_loop3A_198 = tpu.vector_load %arg5[%parallel_loop3A_196, %parallel_loop3A_197] {strides = array<i32>} : memref<360x128xf32, #tpu.memory_space<vmem>>, vector<16xf32>,
      %parallel_loop3A_199 = arith.cmpf ogt, %parallel_loop3A_198, %parallel_loop3A_178 : vector<16xf32>
      %parallel_loop3A_200 = arith.select %parallel_loop3A_199, %parallel_loop3A_198, %parallel_loop3A_178 : vector<16xi1>, vector<16xf32>
      %parallel_loop3A_201 = arith.select %parallel_loop3A_199, %parallel_loop3A_195, %parallel_loop3A_186 : vector<16xi1>, vector<16xi32>
      %parallel_loop3A_202 = arith.index_cast %parallel_loop3A_177 : i32 to index
      %parallel_loop3A_203 = arith.constant 16 : index
      %parallel_loop3A_204 = tpu.vector_load %arg5[%parallel_loop3A_202, %parallel_loop3A_203] {strides = array<i32>} : memref<360x128xf32, #tpu.memory_space<vmem>>, vector<16xf32>,
      %parallel_loop3A_205 = arith.cmpf ogt, %parallel_loop3A_204, %parallel_loop3A_179 : vector<16xf32>
      %parallel_loop3A_206 = arith.select %parallel_loop3A_205, %parallel_loop3A_204, %parallel_loop3A_179 : vector<16xi1>, vector<16xf32>
      %parallel_loop3A_207 = arith.select %parallel_loop3A_205, %parallel_loop3A_195, %parallel_loop3A_187 : vector<16xi1>, vector<16xi32>
      %parallel_loop3A_208 = arith.index_cast %parallel_loop3A_177 : i32 to index
      %parallel_loop3A_209 = arith.constant 32 : index
      %parallel_loop3A_210 = tpu.vector_load %arg5[%parallel_loop3A_208, %parallel_loop3A_209] {strides = array<i32>} : memref<360x128xf32, #tpu.memory_space<vmem>>, vector<16xf32>,
      %parallel_loop3A_211 = arith.cmpf ogt, %parallel_loop3A_210, %parallel_loop3A_180 : vector<16xf32>
      %parallel_loop3A_212 = arith.select %parallel_loop3A_211, %parallel_loop3A_210, %parallel_loop3A_180 : vector<16xi1>, vector<16xf32>
      %parallel_loop3A_213 = arith.select %parallel_loop3A_211, %parallel_loop3A_195, %parallel_loop3A_188 : vector<16xi1>, vector<16xi32>
      %parallel_loop3A_214 = arith.index_cast %parallel_loop3A_177 : i32 to index
      %parallel_loop3A_215 = arith.constant 48 : index
      %parallel_loop3A_216 = tpu.vector_load %arg5[%parallel_loop3A_214, %parallel_loop3A_215] {strides = array<i32>} : memref<360x128xf32, #tpu.memory_space<vmem>>, vector<16xf32>,
      %parallel_loop3A_217 = arith.cmpf ogt, %parallel_loop3A_216, %parallel_loop3A_181 : vector<16xf32>
      %parallel_loop3A_218 = arith.select %parallel_loop3A_217, %parallel_loop3A_216, %parallel_loop3A_181 : vector<16xi1>, vector<16xf32>
      %parallel_loop3A_219 = arith.select %parallel_loop3A_217, %parallel_loop3A_195, %parallel_loop3A_189 : vector<16xi1>, vector<16xi32>
      %parallel_loop3A_220 = arith.index_cast %parallel_loop3A_177 : i32 to index
      %parallel_loop3A_221 = arith.constant 64 : index
      %parallel_loop3A_222 = tpu.vector_load %arg5[%parallel_loop3A_220, %parallel_loop3A_221] {strides = array<i32>} : memref<360x128xf32, #tpu.memory_space<vmem>>, vector<16xf32>,
      %parallel_loop3A_223 = arith.cmpf ogt, %parallel_loop3A_222, %parallel_loop3A_182 : vector<16xf32>
      %parallel_loop3A_224 = arith.select %parallel_loop3A_223, %parallel_loop3A_222, %parallel_loop3A_182 : vector<16xi1>, vector<16xf32>
      %parallel_loop3A_225 = arith.select %parallel_loop3A_223, %parallel_loop3A_195, %parallel_loop3A_190 : vector<16xi1>, vector<16xi32>
      %parallel_loop3A_226 = arith.index_cast %parallel_loop3A_177 : i32 to index
      %parallel_loop3A_227 = arith.constant 80 : index
      %parallel_loop3A_228 = tpu.vector_load %arg5[%parallel_loop3A_226, %parallel_loop3A_227] {strides = array<i32>} : memref<360x128xf32, #tpu.memory_space<vmem>>, vector<16xf32>,
      %parallel_loop3A_229 = arith.cmpf ogt, %parallel_loop3A_228, %parallel_loop3A_183 : vector<16xf32>
      %parallel_loop3A_230 = arith.select %parallel_loop3A_229, %parallel_loop3A_228, %parallel_loop3A_183 : vector<16xi1>, vector<16xf32>
      %parallel_loop3A_231 = arith.select %parallel_loop3A_229, %parallel_loop3A_195, %parallel_loop3A_191 : vector<16xi1>, vector<16xi32>
      %parallel_loop3A_232 = arith.index_cast %parallel_loop3A_177 : i32 to index
      %parallel_loop3A_233 = arith.constant 96 : index
      %parallel_loop3A_234 = tpu.vector_load %arg5[%parallel_loop3A_232, %parallel_loop3A_233] {strides = array<i32>} : memref<360x128xf32, #tpu.memory_space<vmem>>, vector<16xf32>,
      %parallel_loop3A_235 = arith.cmpf ogt, %parallel_loop3A_234, %parallel_loop3A_184 : vector<16xf32>
      %parallel_loop3A_236 = arith.select %parallel_loop3A_235, %parallel_loop3A_234, %parallel_loop3A_184 : vector<16xi1>, vector<16xf32>
      %parallel_loop3A_237 = arith.select %parallel_loop3A_235, %parallel_loop3A_195, %parallel_loop3A_192 : vector<16xi1>, vector<16xi32>
      %parallel_loop3A_238 = arith.index_cast %parallel_loop3A_177 : i32 to index
      %parallel_loop3A_239 = arith.constant 112 : index
      %parallel_loop3A_240 = tpu.vector_load %arg5[%parallel_loop3A_238, %parallel_loop3A_239] {strides = array<i32>} : memref<360x128xf32, #tpu.memory_space<vmem>>, vector<16xf32>,
      %parallel_loop3A_241 = arith.cmpf ogt, %parallel_loop3A_240, %parallel_loop3A_185 : vector<16xf32>
      %parallel_loop3A_242 = arith.select %parallel_loop3A_241, %parallel_loop3A_240, %parallel_loop3A_185 : vector<16xi1>, vector<16xf32>
      %parallel_loop3A_243 = arith.select %parallel_loop3A_241, %parallel_loop3A_195, %parallel_loop3A_193 : vector<16xi1>, vector<16xi32>
      scf.yield %parallel_loop3A_200, %parallel_loop3A_206, %parallel_loop3A_212, %parallel_loop3A_218, %parallel_loop3A_224, %parallel_loop3A_230, %parallel_loop3A_236, %parallel_loop3A_242, %parallel_loop3A_201, %parallel_loop3A_207, %parallel_loop3A_213, %parallel_loop3A_219, %parallel_loop3A_225, %parallel_loop3A_231, %parallel_loop3A_237, %parallel_loop3A_243 : vector<16xf32>, vector<16xf32>, vector<16xf32>, vector<16xf32>, vector<16xf32>, vector<16xf32>, vector<16xf32>, vector<16xf32>, vector<16xi32>, vector<16xi32>, vector<16xi32>, vector<16xi32>, vector<16xi32>, vector<16xi32>, vector<16xi32>, vector<16xi32>
    } {sc.loop_unroll_factor = 2 : i64, sc.parallel_access}
    %dma_wait3A_130 = arith.constant 0 : i32
    %dma_wait3A_131 = arith.constant 0 : i32
    %dma_wait3A_132 = tpu.memref_slice %arg6[%dma_wait3A_130, %dma_wait3A_131] : memref<360x128xf32, #tpu.memory_space<vmem>> -> memref<320x128xf32, #tpu.memory_space<vmem>>
    %dma_wait3A_133 = arith.constant 0 : i32
    %dma_wait3A_134 = tpu.memref_slice %arg2[%add3A_103, %dma_wait3A_133] : memref<100000x128xf32, #tpu.memory_space<hbm>> -> memref<320x128xf32, #tpu.memory_space<hbm>>
    %dma_wait3A_135 = arith.constant 0 : i32
    %dma_wait3A_136 = arith.constant 0 : i32
    %dma_wait3A_137 = tpu.memref_slice %arg6[%dma_wait3A_135, %dma_wait3A_136] : memref<360x128xf32, #tpu.memory_space<vmem>> -> memref<320x128xf32, #tpu.memory_space<vmem>>
    %dma_wait3A_138 = arith.constant 0 : i32
    %dma_wait3A_139 = tpu.memref_slice %arg2[%add3A_103, %dma_wait3A_138] : memref<100000x128xf32, #tpu.memory_space<hbm>> -> memref<320x128xf32, #tpu.memory_space<hbm>>
    tpu.wait_dma2 semaphore(%arg10 : memref<!tpu.dma_semaphore, #tpu.memory_space<semaphore_mem>>) src(%dma_wait3A_139 : memref<320x128xf32, #tpu.memory_space<hbm>>) dst(%dma_wait3A_137 : memref<320x128xf32, #tpu.memory_space<vmem>>)
    %add3A_140 = arith.constant 1080 : i32
    %add3A_141 = arith.addi %multiple_of3A, %add3A_140 : i32
    %parallel_loop3A_142 = arith.constant 0 : i32
    %parallel_loop3A_143 = arith.constant 320 : i32
    %parallel_loop3A_144 = arith.constant 1 : i32
    %parallel_loop3A_145:16 = scf.for %parallel_loop3A_177 = %parallel_loop3A_142 to %parallel_loop3A_143 step %parallel_loop3A_144 iter_args(%parallel_loop3A_178 = %parallel_loop3A_129#0, %parallel_loop3A_179 = %parallel_loop3A_129#1, %parallel_loop3A_180 = %parallel_loop3A_129#2, %parallel_loop3A_181 = %parallel_loop3A_129#3, %parallel_loop3A_182 = %parallel_loop3A_129#4, %parallel_loop3A_183 = %parallel_loop3A_129#5, %parallel_loop3A_184 = %parallel_loop3A_129#6, %parallel_loop3A_185 = %parallel_loop3A_129#7, %parallel_loop3A_186 = %parallel_loop3A_129#8, %parallel_loop3A_187 = %parallel_loop3A_129#9, %parallel_loop3A_188 = %parallel_loop3A_129#10, %parallel_loop3A_189 = %parallel_loop3A_129#11, %parallel_loop3A_190 = %parallel_loop3A_129#12, %parallel_loop3A_191 = %parallel_loop3A_129#13, %parallel_loop3A_192 = %parallel_loop3A_129#14, %parallel_loop3A_193 = %parallel_loop3A_129#15) -> (vector<16xf32>, vector<16xf32>, vector<16xf32>, vector<16xf32>, vector<16xf32>, vector<16xf32>, vector<16xf32>, vector<16xf32>, vector<16xi32>, vector<16xi32>, vector<16xi32>, vector<16xi32>, vector<16xi32>, vector<16xi32>, vector<16xi32>, vector<16xi32>)  : i32 {
      %parallel_loop3A_194 = arith.addi %add3A_141, %parallel_loop3A_177 : i32
      %parallel_loop3A_195 = vector.broadcast %parallel_loop3A_194 : i32 to vector<16xi32>
      %parallel_loop3A_196 = arith.index_cast %parallel_loop3A_177 : i32 to index
      %parallel_loop3A_197 = arith.constant 0 : index
      %parallel_loop3A_198 = tpu.vector_load %arg6[%parallel_loop3A_196, %parallel_loop3A_197] {strides = array<i32>} : memref<360x128xf32, #tpu.memory_space<vmem>>, vector<16xf32>,
      %parallel_loop3A_199 = arith.cmpf ogt, %parallel_loop3A_198, %parallel_loop3A_178 : vector<16xf32>
      %parallel_loop3A_200 = arith.select %parallel_loop3A_199, %parallel_loop3A_198, %parallel_loop3A_178 : vector<16xi1>, vector<16xf32>
      %parallel_loop3A_201 = arith.select %parallel_loop3A_199, %parallel_loop3A_195, %parallel_loop3A_186 : vector<16xi1>, vector<16xi32>
      %parallel_loop3A_202 = arith.index_cast %parallel_loop3A_177 : i32 to index
      %parallel_loop3A_203 = arith.constant 16 : index
      %parallel_loop3A_204 = tpu.vector_load %arg6[%parallel_loop3A_202, %parallel_loop3A_203] {strides = array<i32>} : memref<360x128xf32, #tpu.memory_space<vmem>>, vector<16xf32>,
      %parallel_loop3A_205 = arith.cmpf ogt, %parallel_loop3A_204, %parallel_loop3A_179 : vector<16xf32>
      %parallel_loop3A_206 = arith.select %parallel_loop3A_205, %parallel_loop3A_204, %parallel_loop3A_179 : vector<16xi1>, vector<16xf32>
      %parallel_loop3A_207 = arith.select %parallel_loop3A_205, %parallel_loop3A_195, %parallel_loop3A_187 : vector<16xi1>, vector<16xi32>
      %parallel_loop3A_208 = arith.index_cast %parallel_loop3A_177 : i32 to index
      %parallel_loop3A_209 = arith.constant 32 : index
      %parallel_loop3A_210 = tpu.vector_load %arg6[%parallel_loop3A_208, %parallel_loop3A_209] {strides = array<i32>} : memref<360x128xf32, #tpu.memory_space<vmem>>, vector<16xf32>,
      %parallel_loop3A_211 = arith.cmpf ogt, %parallel_loop3A_210, %parallel_loop3A_180 : vector<16xf32>
      %parallel_loop3A_212 = arith.select %parallel_loop3A_211, %parallel_loop3A_210, %parallel_loop3A_180 : vector<16xi1>, vector<16xf32>
      %parallel_loop3A_213 = arith.select %parallel_loop3A_211, %parallel_loop3A_195, %parallel_loop3A_188 : vector<16xi1>, vector<16xi32>
      %parallel_loop3A_214 = arith.index_cast %parallel_loop3A_177 : i32 to index
      %parallel_loop3A_215 = arith.constant 48 : index
      %parallel_loop3A_216 = tpu.vector_load %arg6[%parallel_loop3A_214, %parallel_loop3A_215] {strides = array<i32>} : memref<360x128xf32, #tpu.memory_space<vmem>>, vector<16xf32>,
      %parallel_loop3A_217 = arith.cmpf ogt, %parallel_loop3A_216, %parallel_loop3A_181 : vector<16xf32>
      %parallel_loop3A_218 = arith.select %parallel_loop3A_217, %parallel_loop3A_216, %parallel_loop3A_181 : vector<16xi1>, vector<16xf32>
      %parallel_loop3A_219 = arith.select %parallel_loop3A_217, %parallel_loop3A_195, %parallel_loop3A_189 : vector<16xi1>, vector<16xi32>
      %parallel_loop3A_220 = arith.index_cast %parallel_loop3A_177 : i32 to index
      %parallel_loop3A_221 = arith.constant 64 : index
      %parallel_loop3A_222 = tpu.vector_load %arg6[%parallel_loop3A_220, %parallel_loop3A_221] {strides = array<i32>} : memref<360x128xf32, #tpu.memory_space<vmem>>, vector<16xf32>,
      %parallel_loop3A_223 = arith.cmpf ogt, %parallel_loop3A_222, %parallel_loop3A_182 : vector<16xf32>
      %parallel_loop3A_224 = arith.select %parallel_loop3A_223, %parallel_loop3A_222, %parallel_loop3A_182 : vector<16xi1>, vector<16xf32>
      %parallel_loop3A_225 = arith.select %parallel_loop3A_223, %parallel_loop3A_195, %parallel_loop3A_190 : vector<16xi1>, vector<16xi32>
      %parallel_loop3A_226 = arith.index_cast %parallel_loop3A_177 : i32 to index
      %parallel_loop3A_227 = arith.constant 80 : index
      %parallel_loop3A_228 = tpu.vector_load %arg6[%parallel_loop3A_226, %parallel_loop3A_227] {strides = array<i32>} : memref<360x128xf32, #tpu.memory_space<vmem>>, vector<16xf32>,
      %parallel_loop3A_229 = arith.cmpf ogt, %parallel_loop3A_228, %parallel_loop3A_183 : vector<16xf32>
      %parallel_loop3A_230 = arith.select %parallel_loop3A_229, %parallel_loop3A_228, %parallel_loop3A_183 : vector<16xi1>, vector<16xf32>
      %parallel_loop3A_231 = arith.select %parallel_loop3A_229, %parallel_loop3A_195, %parallel_loop3A_191 : vector<16xi1>, vector<16xi32>
      %parallel_loop3A_232 = arith.index_cast %parallel_loop3A_177 : i32 to index
      %parallel_loop3A_233 = arith.constant 96 : index
      %parallel_loop3A_234 = tpu.vector_load %arg6[%parallel_loop3A_232, %parallel_loop3A_233] {strides = array<i32>} : memref<360x128xf32, #tpu.memory_space<vmem>>, vector<16xf32>,
      %parallel_loop3A_235 = arith.cmpf ogt, %parallel_loop3A_234, %parallel_loop3A_184 : vector<16xf32>
      %parallel_loop3A_236 = arith.select %parallel_loop3A_235, %parallel_loop3A_234, %parallel_loop3A_184 : vector<16xi1>, vector<16xf32>
      %parallel_loop3A_237 = arith.select %parallel_loop3A_235, %parallel_loop3A_195, %parallel_loop3A_192 : vector<16xi1>, vector<16xi32>
      %parallel_loop3A_238 = arith.index_cast %parallel_loop3A_177 : i32 to index
      %parallel_loop3A_239 = arith.constant 112 : index
      %parallel_loop3A_240 = tpu.vector_load %arg6[%parallel_loop3A_238, %parallel_loop3A_239] {strides = array<i32>} : memref<360x128xf32, #tpu.memory_space<vmem>>, vector<16xf32>,
      %parallel_loop3A_241 = arith.cmpf ogt, %parallel_loop3A_240, %parallel_loop3A_185 : vector<16xf32>
      %parallel_loop3A_242 = arith.select %parallel_loop3A_241, %parallel_loop3A_240, %parallel_loop3A_185 : vector<16xi1>, vector<16xf32>
      %parallel_loop3A_243 = arith.select %parallel_loop3A_241, %parallel_loop3A_195, %parallel_loop3A_193 : vector<16xi1>, vector<16xi32>
      scf.yield %parallel_loop3A_200, %parallel_loop3A_206, %parallel_loop3A_212, %parallel_loop3A_218, %parallel_loop3A_224, %parallel_loop3A_230, %parallel_loop3A_236, %parallel_loop3A_242, %parallel_loop3A_201, %parallel_loop3A_207, %parallel_loop3A_213, %parallel_loop3A_219, %parallel_loop3A_225, %parallel_loop3A_231, %parallel_loop3A_237, %parallel_loop3A_243 : vector<16xf32>, vector<16xf32>, vector<16xf32>, vector<16xf32>, vector<16xf32>, vector<16xf32>, vector<16xf32>, vector<16xf32>, vector<16xi32>, vector<16xi32>, vector<16xi32>, vector<16xi32>, vector<16xi32>, vector<16xi32>, vector<16xi32>, vector<16xi32>
    } {sc.loop_unroll_factor = 2 : i64, sc.parallel_access}
    %swap3A = arith.constant 0 : index
    %swap3A_146 = tpu.vector_load %arg7[%swap3A] {strides = array<i32>} : memref<128xf32, #tpu.memory_space<vmem>>, vector<16xf32>,
    tpu.vector_store %arg7[%swap3A], %parallel_loop3A_145#0 {strides = array<i32>} : memref<128xf32, #tpu.memory_space<vmem>>, vector<16xf32>,
    %swap3A_147 = arith.constant 0 : index
    %swap3A_148 = tpu.vector_load %arg8[%swap3A_147] {strides = array<i32>} : memref<128xi32, #tpu.memory_space<vmem>>, vector<16xi32>,
    tpu.vector_store %arg8[%swap3A_147], %parallel_loop3A_145#8 {strides = array<i32>} : memref<128xi32, #tpu.memory_space<vmem>>, vector<16xi32>,
    %swap3A_149 = arith.constant 16 : index
    %swap3A_150 = tpu.vector_load %arg7[%swap3A_149] {strides = array<i32>} : memref<128xf32, #tpu.memory_space<vmem>>, vector<16xf32>,
    tpu.vector_store %arg7[%swap3A_149], %parallel_loop3A_145#1 {strides = array<i32>} : memref<128xf32, #tpu.memory_space<vmem>>, vector<16xf32>,
    %swap3A_151 = arith.constant 16 : index
    %swap3A_152 = tpu.vector_load %arg8[%swap3A_151] {strides = array<i32>} : memref<128xi32, #tpu.memory_space<vmem>>, vector<16xi32>,
    tpu.vector_store %arg8[%swap3A_151], %parallel_loop3A_145#9 {strides = array<i32>} : memref<128xi32, #tpu.memory_space<vmem>>, vector<16xi32>,
    %swap3A_153 = arith.constant 32 : index
    %swap3A_154 = tpu.vector_load %arg7[%swap3A_153] {strides = array<i32>} : memref<128xf32, #tpu.memory_space<vmem>>, vector<16xf32>,
    tpu.vector_store %arg7[%swap3A_153], %parallel_loop3A_145#2 {strides = array<i32>} : memref<128xf32, #tpu.memory_space<vmem>>, vector<16xf32>,
    %swap3A_155 = arith.constant 32 : index
    %swap3A_156 = tpu.vector_load %arg8[%swap3A_155] {strides = array<i32>} : memref<128xi32, #tpu.memory_space<vmem>>, vector<16xi32>,
    tpu.vector_store %arg8[%swap3A_155], %parallel_loop3A_145#10 {strides = array<i32>} : memref<128xi32, #tpu.memory_space<vmem>>, vector<16xi32>,
    %swap3A_157 = arith.constant 48 : index
    %swap3A_158 = tpu.vector_load %arg7[%swap3A_157] {strides = array<i32>} : memref<128xf32, #tpu.memory_space<vmem>>, vector<16xf32>,
    tpu.vector_store %arg7[%swap3A_157], %parallel_loop3A_145#3 {strides = array<i32>} : memref<128xf32, #tpu.memory_space<vmem>>, vector<16xf32>,
    %swap3A_159 = arith.constant 48 : index
    %swap3A_160 = tpu.vector_load %arg8[%swap3A_159] {strides = array<i32>} : memref<128xi32, #tpu.memory_space<vmem>>, vector<16xi32>,
    tpu.vector_store %arg8[%swap3A_159], %parallel_loop3A_145#11 {strides = array<i32>} : memref<128xi32, #tpu.memory_space<vmem>>, vector<16xi32>,
    %swap3A_161 = arith.constant 64 : index
    %swap3A_162 = tpu.vector_load %arg7[%swap3A_161] {strides = array<i32>} : memref<128xf32, #tpu.memory_space<vmem>>, vector<16xf32>,
    tpu.vector_store %arg7[%swap3A_161], %parallel_loop3A_145#4 {strides = array<i32>} : memref<128xf32, #tpu.memory_space<vmem>>, vector<16xf32>,
    %swap3A_163 = arith.constant 64 : index
    %swap3A_164 = tpu.vector_load %arg8[%swap3A_163] {strides = array<i32>} : memref<128xi32, #tpu.memory_space<vmem>>, vector<16xi32>,
    tpu.vector_store %arg8[%swap3A_163], %parallel_loop3A_145#12 {strides = array<i32>} : memref<128xi32, #tpu.memory_space<vmem>>, vector<16xi32>,
    %swap3A_165 = arith.constant 80 : index
    %swap3A_166 = tpu.vector_load %arg7[%swap3A_165] {strides = array<i32>} : memref<128xf32, #tpu.memory_space<vmem>>, vector<16xf32>,
    tpu.vector_store %arg7[%swap3A_165], %parallel_loop3A_145#5 {strides = array<i32>} : memref<128xf32, #tpu.memory_space<vmem>>, vector<16xf32>,
    %swap3A_167 = arith.constant 80 : index
    %swap3A_168 = tpu.vector_load %arg8[%swap3A_167] {strides = array<i32>} : memref<128xi32, #tpu.memory_space<vmem>>, vector<16xi32>,
    tpu.vector_store %arg8[%swap3A_167], %parallel_loop3A_145#13 {strides = array<i32>} : memref<128xi32, #tpu.memory_space<vmem>>, vector<16xi32>,
    %swap3A_169 = arith.constant 96 : index
    %swap3A_170 = tpu.vector_load %arg7[%swap3A_169] {strides = array<i32>} : memref<128xf32, #tpu.memory_space<vmem>>, vector<16xf32>,
    tpu.vector_store %arg7[%swap3A_169], %parallel_loop3A_145#6 {strides = array<i32>} : memref<128xf32, #tpu.memory_space<vmem>>, vector<16xf32>,
    %swap3A_171 = arith.constant 96 : index
    %swap3A_172 = tpu.vector_load %arg8[%swap3A_171] {strides = array<i32>} : memref<128xi32, #tpu.memory_space<vmem>>, vector<16xi32>,
    tpu.vector_store %arg8[%swap3A_171], %parallel_loop3A_145#14 {strides = array<i32>} : memref<128xi32, #tpu.memory_space<vmem>>, vector<16xi32>,
    %swap3A_173 = arith.constant 112 : index
    %swap3A_174 = tpu.vector_load %arg7[%swap3A_173] {strides = array<i32>} : memref<128xf32, #tpu.memory_space<vmem>>, vector<16xf32>,
    tpu.vector_store %arg7[%swap3A_173], %parallel_loop3A_145#7 {strides = array<i32>} : memref<128xf32, #tpu.memory_space<vmem>>, vector<16xf32>,
    %swap3A_175 = arith.constant 112 : index
    %swap3A_176 = tpu.vector_load %arg8[%swap3A_175] {strides = array<i32>} : memref<128xi32, #tpu.memory_space<vmem>>, vector<16xi32>,
    tpu.vector_store %arg8[%swap3A_175], %parallel_loop3A_145#15 {strides = array<i32>} : memref<128xi32, #tpu.memory_space<vmem>>, vector<16xi32>,
    "tpu.region"() ({
      %run_scoped3A = tpu.sem_alloc : memref<!tpu.dma_semaphore, #tpu.memory_space<semaphore_mem>>
      %dma_start3A_177 = arith.constant 0 : i32
      %dma_start3A_178 = tpu.memref_slice %arg3[%add3A, %dma_start3A_177] : memref<32x128xf32, #tpu.memory_space<hbm>> -> memref<1x128xf32, #tpu.memory_space<hbm>>
      %dma_start3A_179 = tpu.memref_squeeze %dma_start3A_178 : memref<1x128xf32, #tpu.memory_space<hbm>> -> memref<128xf32, #tpu.memory_space<hbm>>
      %dma_start3A_180 = arith.constant 0 : i32
      %dma_start3A_181 = tpu.memref_slice %arg3[%add3A, %dma_start3A_180] : memref<32x128xf32, #tpu.memory_space<hbm>> -> memref<1x128xf32, #tpu.memory_space<hbm>>
      %dma_start3A_182 = tpu.memref_squeeze %dma_start3A_181 : memref<1x128xf32, #tpu.memory_space<hbm>> -> memref<128xf32, #tpu.memory_space<hbm>>
      tpu.enqueue_dma source(%arg7 : memref<128xf32, #tpu.memory_space<vmem>>) target(%dma_start3A_182 : memref<128xf32, #tpu.memory_space<hbm>>) target_semaphore(%run_scoped3A : memref<!tpu.dma_semaphore, #tpu.memory_space<semaphore_mem>>)
      %dma_wait3A_183 = arith.constant 0 : i32
      %dma_wait3A_184 = tpu.memref_slice %arg3[%add3A, %dma_wait3A_183] : memref<32x128xf32, #tpu.memory_space<hbm>> -> memref<1x128xf32, #tpu.memory_space<hbm>>
      %dma_wait3A_185 = tpu.memref_squeeze %dma_wait3A_184 : memref<1x128xf32, #tpu.memory_space<hbm>> -> memref<128xf32, #tpu.memory_space<hbm>>
      %dma_wait3A_186 = arith.constant 0 : i32
      %dma_wait3A_187 = tpu.memref_slice %arg3[%add3A, %dma_wait3A_186] : memref<32x128xf32, #tpu.memory_space<hbm>> -> memref<1x128xf32, #tpu.memory_space<hbm>>
      %dma_wait3A_188 = tpu.memref_squeeze %dma_wait3A_187 : memref<1x128xf32, #tpu.memory_space<hbm>> -> memref<128xf32, #tpu.memory_space<hbm>>
      tpu.wait_dma2 semaphore(%run_scoped3A : memref<!tpu.dma_semaphore, #tpu.memory_space<semaphore_mem>>) src(%arg7 : memref<128xf32, #tpu.memory_space<vmem>>) dst(%dma_wait3A_188 : memref<128xf32, #tpu.memory_space<hbm>>)
      tpu.yield
    }) : () -> ()
    "tpu.region"() ({
      %run_scoped3A = tpu.sem_alloc : memref<!tpu.dma_semaphore, #tpu.memory_space<semaphore_mem>>
      %dma_start3A_177 = arith.constant 0 : i32
      %dma_start3A_178 = tpu.memref_slice %arg4[%add3A, %dma_start3A_177] : memref<32x128xi32, #tpu.memory_space<hbm>> -> memref<1x128xi32, #tpu.memory_space<hbm>>
      %dma_start3A_179 = tpu.memref_squeeze %dma_start3A_178 : memref<1x128xi32, #tpu.memory_space<hbm>> -> memref<128xi32, #tpu.memory_space<hbm>>
      %dma_start3A_180 = arith.constant 0 : i32
      %dma_start3A_181 = tpu.memref_slice %arg4[%add3A, %dma_start3A_180] : memref<32x128xi32, #tpu.memory_space<hbm>> -> memref<1x128xi32, #tpu.memory_space<hbm>>
      %dma_start3A_182 = tpu.memref_squeeze %dma_start3A_181 : memref<1x128xi32, #tpu.memory_space<hbm>> -> memref<128xi32, #tpu.memory_space<hbm>>
      tpu.enqueue_dma source(%arg8 : memref<128xi32, #tpu.memory_space<vmem>>) target(%dma_start3A_182 : memref<128xi32, #tpu.memory_space<hbm>>) target_semaphore(%run_scoped3A : memref<!tpu.dma_semaphore, #tpu.memory_space<semaphore_mem>>)
      %dma_wait3A_183 = arith.constant 0 : i32
      %dma_wait3A_184 = tpu.memref_slice %arg4[%add3A, %dma_wait3A_183] : memref<32x128xi32, #tpu.memory_space<hbm>> -> memref<1x128xi32, #tpu.memory_space<hbm>>
      %dma_wait3A_185 = tpu.memref_squeeze %dma_wait3A_184 : memref<1x128xi32, #tpu.memory_space<hbm>> -> memref<128xi32, #tpu.memory_space<hbm>>
      %dma_wait3A_186 = arith.constant 0 : i32
      %dma_wait3A_187 = tpu.memref_slice %arg4[%add3A, %dma_wait3A_186] : memref<32x128xi32, #tpu.memory_space<hbm>> -> memref<1x128xi32, #tpu.memory_space<hbm>>
      %dma_wait3A_188 = tpu.memref_squeeze %dma_wait3A_187 : memref<1x128xi32, #tpu.memory_space<hbm>> -> memref<128xi32, #tpu.memory_space<hbm>>
      tpu.wait_dma2 semaphore(%run_scoped3A : memref<!tpu.dma_semaphore, #tpu.memory_space<semaphore_mem>>) src(%arg8 : memref<128xi32, #tpu.memory_space<vmem>>) dst(%dma_wait3A_188 : memref<128xi32, #tpu.memory_space<hbm>>)
      tpu.yield
    }) : () -> ()
    return
  }
}

module attributes {stable_mosaic.version = 14 : i64} {
  func.func @_tc_head_body(%arg0: i32, %arg1: memref<6912x128xf32, #tpu.memory_space<vmem>>, %arg2: memref<1x1x128xf32, #tpu.memory_space<vmem>>, %arg3: memref<1x1x128xi32, #tpu.memory_space<vmem>>) attributes {dimension_semantics = [#tpu.dimension_semantics<arbitrary>], iteration_bounds = array<i64: 8>, scalar_prefetch = 0 : i64, scratch_operands = 0 : i64, tpu.core_type = #tpu.core_type<tc>, window_params = [{transform_indices = @transform_0, window_bounds = array<i64: 6912, 128>}, {transform_indices = @transform_1, window_bounds = array<i64: 1, 1, 128>}, {transform_indices = @transform_2, window_bounds = array<i64: 1, 1, 128>}]} {
    %get3A = arith.constant 0 : index
    %get3A_0 = arith.constant 0 : index
    %get3A_1 = vector.load %arg1[%get3A, %get3A_0] : memref<6912x128xf32, #tpu.memory_space<vmem>>, vector<6912x128xf32>
    %reduce_max3A = arith.constant dense<0xFF800000> : vector<128xf32>
    %reduce_max3A_2 = vector.multi_reduction <maximumf>, %get3A_1, %reduce_max3A [0] : vector<6912x128xf32> to vector<128xf32>
    %broadcast_in_dim3A = vector.shape_cast %reduce_max3A_2 : vector<128xf32> to vector<1x128xf32>
    %iota3A = tpu.iota {dimensions = array<i32: 0>} : vector<6912x128xi32>
    %eq3A = vector.broadcast %broadcast_in_dim3A : vector<1x128xf32> to vector<6912x128xf32>
    %eq3A_3 = arith.cmpf oeq, %get3A_1, %eq3A : vector<6912x128xf32>
    %jit3A = arith.constant 2147483647 : i32
    %broadcast_in_dim3A_4 = vector.broadcast %jit3A : i32 to vector<6912x128xi32>
    %select_n3A = arith.select %eq3A_3, %iota3A, %broadcast_in_dim3A_4 : vector<6912x128xi1>, vector<6912x128xi32>
    %reduce_min3A = arith.constant dense<2147483647> : vector<128xi32>
    %reduce_min3A_5 = vector.multi_reduction <minsi>, %select_n3A, %reduce_min3A [0] : vector<6912x128xi32> to vector<128xi32>
    %broadcast_in_dim3A_6 = vector.shape_cast %reduce_min3A_5 : vector<128xi32> to vector<1x128xi32>
    %reshape3A = vector.shape_cast %broadcast_in_dim3A : vector<1x128xf32> to vector<1x1x128xf32>
    %swap3A = arith.constant 0 : index
    %swap3A_7 = arith.constant 0 : index
    %swap3A_8 = arith.constant 0 : index
    %swap3A_9 = vector.load %arg2[%swap3A, %swap3A_7, %swap3A_8] : memref<1x1x128xf32, #tpu.memory_space<vmem>>, vector<1x1x128xf32>
    tpu.vector_store %arg2[%swap3A, %swap3A_7, %swap3A_8], %reshape3A {strides = array<i32>} : memref<1x1x128xf32, #tpu.memory_space<vmem>>, vector<1x1x128xf32>,
    %mul3A = arith.constant 6912 : i32
    %mul3A_10 = arith.muli %arg0, %mul3A : i32
    %add3A = vector.broadcast %mul3A_10 : i32 to vector<1x128xi32>
    %add3A_11 = arith.addi %broadcast_in_dim3A_6, %add3A : vector<1x128xi32>
    %reshape3A_12 = vector.shape_cast %add3A_11 : vector<1x128xi32> to vector<1x1x128xi32>
    %swap3A_13 = arith.constant 0 : index
    %swap3A_14 = arith.constant 0 : index
    %swap3A_15 = arith.constant 0 : index
    %swap3A_16 = vector.load %arg3[%swap3A_13, %swap3A_14, %swap3A_15] : memref<1x1x128xi32, #tpu.memory_space<vmem>>, vector<1x1x128xi32>
    tpu.vector_store %arg3[%swap3A_13, %swap3A_14, %swap3A_15], %reshape3A_12 {strides = array<i32>} : memref<1x1x128xi32, #tpu.memory_space<vmem>>, vector<1x1x128xi32>,
    return
  }
  func.func @transform_0(%arg0: i32) -> (i32, i32) {
    %c0_i32 = arith.constant 0 : i32
    %c0_i32_0 = arith.constant 0 : i32
    return %arg0, %c0_i32 : i32, i32
  }
  func.func @transform_1(%arg0: i32) -> (i32, i32, i32) {
    %c0_i32 = arith.constant 0 : i32
    %c0_i32_0 = arith.constant 0 : i32
    %c0_i32_1 = arith.constant 0 : i32
    return %arg0, %c0_i32, %c0_i32_0 : i32, i32, i32
  }
  func.func @transform_2(%arg0: i32) -> (i32, i32, i32) {
    %c0_i32 = arith.constant 0 : i32
    %c0_i32_0 = arith.constant 0 : i32
    %c0_i32_1 = arith.constant 0 : i32
    return %arg0, %c0_i32, %c0_i32_0 : i32, i32, i32
  }
}

module attributes {stable_mosaic.version = 14 : i64} {
  func.func @_tc_merge_body(%arg0: memref<32x128xf32, #tpu.memory_space<vmem>>, %arg1: memref<32x128xi32, #tpu.memory_space<vmem>>, %arg2: memref<8x1x128xf32, #tpu.memory_space<vmem>>, %arg3: memref<8x1x128xi32, #tpu.memory_space<vmem>>, %arg4: memref<1x128xi32, #tpu.memory_space<vmem>>, %arg5: memref<1xi32, #tpu.memory_space<smem>>, %arg6: memref<128x2048xi32, #tpu.memory_space<vmem>>, %arg7: memref<128x2048xi32, #tpu.memory_space<vmem>>, %arg8: memref<1x128xi32, #tpu.memory_space<vmem>>) attributes {dimension_semantics = [], scalar_prefetch = 0 : i64, scratch_operands = 0 : i64, tpu.core_type = #tpu.core_type<tc>} {
    %get3A = arith.constant 0 : index
    %get3A_0 = arith.constant 0 : index
    %get3A_1 = arith.constant 0 : index
    %get3A_2 = vector.load %arg2[%get3A, %get3A_0, %get3A_1] : memref<8x1x128xf32, #tpu.memory_space<vmem>>, vector<1x1x128xf32>
    %get3A_3 = vector.shape_cast %get3A_2 : vector<1x1x128xf32> to vector<1x128xf32>
    %get3A_4 = arith.constant 0 : index
    %get3A_5 = arith.constant 0 : index
    %get3A_6 = arith.constant 0 : index
    %get3A_7 = vector.load %arg3[%get3A_4, %get3A_5, %get3A_6] : memref<8x1x128xi32, #tpu.memory_space<vmem>>, vector<1x1x128xi32>
    %get3A_8 = vector.shape_cast %get3A_7 : vector<1x1x128xi32> to vector<1x128xi32>
    %get3A_9 = arith.constant 1 : index
    %get3A_10 = arith.constant 0 : index
    %get3A_11 = arith.constant 0 : index
    %get3A_12 = vector.load %arg2[%get3A_9, %get3A_10, %get3A_11] : memref<8x1x128xf32, #tpu.memory_space<vmem>>, vector<1x1x128xf32>
    %get3A_13 = vector.shape_cast %get3A_12 : vector<1x1x128xf32> to vector<1x128xf32>
    %get3A_14 = arith.constant 1 : index
    %get3A_15 = arith.constant 0 : index
    %get3A_16 = arith.constant 0 : index
    %get3A_17 = vector.load %arg3[%get3A_14, %get3A_15, %get3A_16] : memref<8x1x128xi32, #tpu.memory_space<vmem>>, vector<1x1x128xi32>
    %get3A_18 = vector.shape_cast %get3A_17 : vector<1x1x128xi32> to vector<1x128xi32>
    %gt3A = arith.cmpf ogt, %get3A_13, %get3A_3 : vector<1x128xf32>
    %eq3A = arith.cmpf oeq, %get3A_13, %get3A_3 : vector<1x128xf32>
    %lt3A = arith.cmpi slt, %get3A_18, %get3A_8 : vector<1x128xi32>
    %and3A = arith.andi %eq3A, %lt3A : vector<1x128xi1>
    %or3A = arith.ori %gt3A, %and3A : vector<1x128xi1>
    %select_n3A = arith.select %or3A, %get3A_13, %get3A_3 : vector<1x128xi1>, vector<1x128xf32>
    %select_n3A_19 = arith.select %or3A, %get3A_18, %get3A_8 : vector<1x128xi1>, vector<1x128xi32>
    %get3A_20 = arith.constant 2 : index
    %get3A_21 = arith.constant 0 : index
    %get3A_22 = arith.constant 0 : index
    %get3A_23 = vector.load %arg2[%get3A_20, %get3A_21, %get3A_22] : memref<8x1x128xf32, #tpu.memory_space<vmem>>, vector<1x1x128xf32>
    %get3A_24 = vector.shape_cast %get3A_23 : vector<1x1x128xf32> to vector<1x128xf32>
    %get3A_25 = arith.constant 2 : index
    %get3A_26 = arith.constant 0 : index
    %get3A_27 = arith.constant 0 : index
    %get3A_28 = vector.load %arg3[%get3A_25, %get3A_26, %get3A_27] : memref<8x1x128xi32, #tpu.memory_space<vmem>>, vector<1x1x128xi32>
    %get3A_29 = vector.shape_cast %get3A_28 : vector<1x1x128xi32> to vector<1x128xi32>
    %gt3A_30 = arith.cmpf ogt, %get3A_24, %select_n3A : vector<1x128xf32>
    %eq3A_31 = arith.cmpf oeq, %get3A_24, %select_n3A : vector<1x128xf32>
    %lt3A_32 = arith.cmpi slt, %get3A_29, %select_n3A_19 : vector<1x128xi32>
    %and3A_33 = arith.andi %eq3A_31, %lt3A_32 : vector<1x128xi1>
    %or3A_34 = arith.ori %gt3A_30, %and3A_33 : vector<1x128xi1>
    %select_n3A_35 = arith.select %or3A_34, %get3A_24, %select_n3A : vector<1x128xi1>, vector<1x128xf32>
    %select_n3A_36 = arith.select %or3A_34, %get3A_29, %select_n3A_19 : vector<1x128xi1>, vector<1x128xi32>
    %get3A_37 = arith.constant 3 : index
    %get3A_38 = arith.constant 0 : index
    %get3A_39 = arith.constant 0 : index
    %get3A_40 = vector.load %arg2[%get3A_37, %get3A_38, %get3A_39] : memref<8x1x128xf32, #tpu.memory_space<vmem>>, vector<1x1x128xf32>
    %get3A_41 = vector.shape_cast %get3A_40 : vector<1x1x128xf32> to vector<1x128xf32>
    %get3A_42 = arith.constant 3 : index
    %get3A_43 = arith.constant 0 : index
    %get3A_44 = arith.constant 0 : index
    %get3A_45 = vector.load %arg3[%get3A_42, %get3A_43, %get3A_44] : memref<8x1x128xi32, #tpu.memory_space<vmem>>, vector<1x1x128xi32>
    %get3A_46 = vector.shape_cast %get3A_45 : vector<1x1x128xi32> to vector<1x128xi32>
    %gt3A_47 = arith.cmpf ogt, %get3A_41, %select_n3A_35 : vector<1x128xf32>
    %eq3A_48 = arith.cmpf oeq, %get3A_41, %select_n3A_35 : vector<1x128xf32>
    %lt3A_49 = arith.cmpi slt, %get3A_46, %select_n3A_36 : vector<1x128xi32>
    %and3A_50 = arith.andi %eq3A_48, %lt3A_49 : vector<1x128xi1>
    %or3A_51 = arith.ori %gt3A_47, %and3A_50 : vector<1x128xi1>
    %select_n3A_52 = arith.select %or3A_51, %get3A_41, %select_n3A_35 : vector<1x128xi1>, vector<1x128xf32>
    %select_n3A_53 = arith.select %or3A_51, %get3A_46, %select_n3A_36 : vector<1x128xi1>, vector<1x128xi32>
    %get3A_54 = arith.constant 4 : index
    %get3A_55 = arith.constant 0 : index
    %get3A_56 = arith.constant 0 : index
    %get3A_57 = vector.load %arg2[%get3A_54, %get3A_55, %get3A_56] : memref<8x1x128xf32, #tpu.memory_space<vmem>>, vector<1x1x128xf32>
    %get3A_58 = vector.shape_cast %get3A_57 : vector<1x1x128xf32> to vector<1x128xf32>
    %get3A_59 = arith.constant 4 : index
    %get3A_60 = arith.constant 0 : index
    %get3A_61 = arith.constant 0 : index
    %get3A_62 = vector.load %arg3[%get3A_59, %get3A_60, %get3A_61] : memref<8x1x128xi32, #tpu.memory_space<vmem>>, vector<1x1x128xi32>
    %get3A_63 = vector.shape_cast %get3A_62 : vector<1x1x128xi32> to vector<1x128xi32>
    %gt3A_64 = arith.cmpf ogt, %get3A_58, %select_n3A_52 : vector<1x128xf32>
    %eq3A_65 = arith.cmpf oeq, %get3A_58, %select_n3A_52 : vector<1x128xf32>
    %lt3A_66 = arith.cmpi slt, %get3A_63, %select_n3A_53 : vector<1x128xi32>
    %and3A_67 = arith.andi %eq3A_65, %lt3A_66 : vector<1x128xi1>
    %or3A_68 = arith.ori %gt3A_64, %and3A_67 : vector<1x128xi1>
    %select_n3A_69 = arith.select %or3A_68, %get3A_58, %select_n3A_52 : vector<1x128xi1>, vector<1x128xf32>
    %select_n3A_70 = arith.select %or3A_68, %get3A_63, %select_n3A_53 : vector<1x128xi1>, vector<1x128xi32>
    %get3A_71 = arith.constant 5 : index
    %get3A_72 = arith.constant 0 : index
    %get3A_73 = arith.constant 0 : index
    %get3A_74 = vector.load %arg2[%get3A_71, %get3A_72, %get3A_73] : memref<8x1x128xf32, #tpu.memory_space<vmem>>, vector<1x1x128xf32>
    %get3A_75 = vector.shape_cast %get3A_74 : vector<1x1x128xf32> to vector<1x128xf32>
    %get3A_76 = arith.constant 5 : index
    %get3A_77 = arith.constant 0 : index
    %get3A_78 = arith.constant 0 : index
    %get3A_79 = vector.load %arg3[%get3A_76, %get3A_77, %get3A_78] : memref<8x1x128xi32, #tpu.memory_space<vmem>>, vector<1x1x128xi32>
    %get3A_80 = vector.shape_cast %get3A_79 : vector<1x1x128xi32> to vector<1x128xi32>
    %gt3A_81 = arith.cmpf ogt, %get3A_75, %select_n3A_69 : vector<1x128xf32>
    %eq3A_82 = arith.cmpf oeq, %get3A_75, %select_n3A_69 : vector<1x128xf32>
    %lt3A_83 = arith.cmpi slt, %get3A_80, %select_n3A_70 : vector<1x128xi32>
    %and3A_84 = arith.andi %eq3A_82, %lt3A_83 : vector<1x128xi1>
    %or3A_85 = arith.ori %gt3A_81, %and3A_84 : vector<1x128xi1>
    %select_n3A_86 = arith.select %or3A_85, %get3A_75, %select_n3A_69 : vector<1x128xi1>, vector<1x128xf32>
    %select_n3A_87 = arith.select %or3A_85, %get3A_80, %select_n3A_70 : vector<1x128xi1>, vector<1x128xi32>
    %get3A_88 = arith.constant 6 : index
    %get3A_89 = arith.constant 0 : index
    %get3A_90 = arith.constant 0 : index
    %get3A_91 = vector.load %arg2[%get3A_88, %get3A_89, %get3A_90] : memref<8x1x128xf32, #tpu.memory_space<vmem>>, vector<1x1x128xf32>
    %get3A_92 = vector.shape_cast %get3A_91 : vector<1x1x128xf32> to vector<1x128xf32>
    %get3A_93 = arith.constant 6 : index
    %get3A_94 = arith.constant 0 : index
    %get3A_95 = arith.constant 0 : index
    %get3A_96 = vector.load %arg3[%get3A_93, %get3A_94, %get3A_95] : memref<8x1x128xi32, #tpu.memory_space<vmem>>, vector<1x1x128xi32>
    %get3A_97 = vector.shape_cast %get3A_96 : vector<1x1x128xi32> to vector<1x128xi32>
    %gt3A_98 = arith.cmpf ogt, %get3A_92, %select_n3A_86 : vector<1x128xf32>
    %eq3A_99 = arith.cmpf oeq, %get3A_92, %select_n3A_86 : vector<1x128xf32>
    %lt3A_100 = arith.cmpi slt, %get3A_97, %select_n3A_87 : vector<1x128xi32>
    %and3A_101 = arith.andi %eq3A_99, %lt3A_100 : vector<1x128xi1>
    %or3A_102 = arith.ori %gt3A_98, %and3A_101 : vector<1x128xi1>
    %select_n3A_103 = arith.select %or3A_102, %get3A_92, %select_n3A_86 : vector<1x128xi1>, vector<1x128xf32>
    %select_n3A_104 = arith.select %or3A_102, %get3A_97, %select_n3A_87 : vector<1x128xi1>, vector<1x128xi32>
    %get3A_105 = arith.constant 7 : index
    %get3A_106 = arith.constant 0 : index
    %get3A_107 = arith.constant 0 : index
    %get3A_108 = vector.load %arg2[%get3A_105, %get3A_106, %get3A_107] : memref<8x1x128xf32, #tpu.memory_space<vmem>>, vector<1x1x128xf32>
    %get3A_109 = vector.shape_cast %get3A_108 : vector<1x1x128xf32> to vector<1x128xf32>
    %get3A_110 = arith.constant 7 : index
    %get3A_111 = arith.constant 0 : index
    %get3A_112 = arith.constant 0 : index
    %get3A_113 = vector.load %arg3[%get3A_110, %get3A_111, %get3A_112] : memref<8x1x128xi32, #tpu.memory_space<vmem>>, vector<1x1x128xi32>
    %get3A_114 = vector.shape_cast %get3A_113 : vector<1x1x128xi32> to vector<1x128xi32>
    %gt3A_115 = arith.cmpf ogt, %get3A_109, %select_n3A_103 : vector<1x128xf32>
    %eq3A_116 = arith.cmpf oeq, %get3A_109, %select_n3A_103 : vector<1x128xf32>
    %lt3A_117 = arith.cmpi slt, %get3A_114, %select_n3A_104 : vector<1x128xi32>
    %and3A_118 = arith.andi %eq3A_116, %lt3A_117 : vector<1x128xi1>
    %or3A_119 = arith.ori %gt3A_115, %and3A_118 : vector<1x128xi1>
    %select_n3A_120 = arith.select %or3A_119, %get3A_109, %select_n3A_103 : vector<1x128xi1>, vector<1x128xf32>
    %select_n3A_121 = arith.select %or3A_119, %get3A_114, %select_n3A_104 : vector<1x128xi1>, vector<1x128xi32>
    %get3A_122 = arith.constant 0 : index
    %get3A_123 = arith.constant 0 : index
    %get3A_124 = vector.load %arg0[%get3A_122, %get3A_123] : memref<32x128xf32, #tpu.memory_space<vmem>>, vector<1x128xf32>
    %get3A_125 = arith.constant 0 : index
    %get3A_126 = arith.constant 0 : index
    %get3A_127 = vector.load %arg1[%get3A_125, %get3A_126] : memref<32x128xi32, #tpu.memory_space<vmem>>, vector<1x128xi32>
    %gt3A_128 = arith.cmpf ogt, %get3A_124, %select_n3A_120 : vector<1x128xf32>
    %eq3A_129 = arith.cmpf oeq, %get3A_124, %select_n3A_120 : vector<1x128xf32>
    %lt3A_130 = arith.cmpi slt, %get3A_127, %select_n3A_121 : vector<1x128xi32>
    %and3A_131 = arith.andi %eq3A_129, %lt3A_130 : vector<1x128xi1>
    %or3A_132 = arith.ori %gt3A_128, %and3A_131 : vector<1x128xi1>
    %select_n3A_133 = arith.select %or3A_132, %get3A_124, %select_n3A_120 : vector<1x128xi1>, vector<1x128xf32>
    %select_n3A_134 = arith.select %or3A_132, %get3A_127, %select_n3A_121 : vector<1x128xi1>, vector<1x128xi32>
    %get3A_135 = arith.constant 1 : index
    %get3A_136 = arith.constant 0 : index
    %get3A_137 = vector.load %arg0[%get3A_135, %get3A_136] : memref<32x128xf32, #tpu.memory_space<vmem>>, vector<1x128xf32>
    %get3A_138 = arith.constant 1 : index
    %get3A_139 = arith.constant 0 : index
    %get3A_140 = vector.load %arg1[%get3A_138, %get3A_139] : memref<32x128xi32, #tpu.memory_space<vmem>>, vector<1x128xi32>
    %gt3A_141 = arith.cmpf ogt, %get3A_137, %select_n3A_133 : vector<1x128xf32>
    %eq3A_142 = arith.cmpf oeq, %get3A_137, %select_n3A_133 : vector<1x128xf32>
    %lt3A_143 = arith.cmpi slt, %get3A_140, %select_n3A_134 : vector<1x128xi32>
    %and3A_144 = arith.andi %eq3A_142, %lt3A_143 : vector<1x128xi1>
    %or3A_145 = arith.ori %gt3A_141, %and3A_144 : vector<1x128xi1>
    %select_n3A_146 = arith.select %or3A_145, %get3A_137, %select_n3A_133 : vector<1x128xi1>, vector<1x128xf32>
    %select_n3A_147 = arith.select %or3A_145, %get3A_140, %select_n3A_134 : vector<1x128xi1>, vector<1x128xi32>
    %get3A_148 = arith.constant 2 : index
    %get3A_149 = arith.constant 0 : index
    %get3A_150 = vector.load %arg0[%get3A_148, %get3A_149] : memref<32x128xf32, #tpu.memory_space<vmem>>, vector<1x128xf32>
    %get3A_151 = arith.constant 2 : index
    %get3A_152 = arith.constant 0 : index
    %get3A_153 = vector.load %arg1[%get3A_151, %get3A_152] : memref<32x128xi32, #tpu.memory_space<vmem>>, vector<1x128xi32>
    %gt3A_154 = arith.cmpf ogt, %get3A_150, %select_n3A_146 : vector<1x128xf32>
    %eq3A_155 = arith.cmpf oeq, %get3A_150, %select_n3A_146 : vector<1x128xf32>
    %lt3A_156 = arith.cmpi slt, %get3A_153, %select_n3A_147 : vector<1x128xi32>
    %and3A_157 = arith.andi %eq3A_155, %lt3A_156 : vector<1x128xi1>
    %or3A_158 = arith.ori %gt3A_154, %and3A_157 : vector<1x128xi1>
    %select_n3A_159 = arith.select %or3A_158, %get3A_150, %select_n3A_146 : vector<1x128xi1>, vector<1x128xf32>
    %select_n3A_160 = arith.select %or3A_158, %get3A_153, %select_n3A_147 : vector<1x128xi1>, vector<1x128xi32>
    %get3A_161 = arith.constant 3 : index
    %get3A_162 = arith.constant 0 : index
    %get3A_163 = vector.load %arg0[%get3A_161, %get3A_162] : memref<32x128xf32, #tpu.memory_space<vmem>>, vector<1x128xf32>
    %get3A_164 = arith.constant 3 : index
    %get3A_165 = arith.constant 0 : index
    %get3A_166 = vector.load %arg1[%get3A_164, %get3A_165] : memref<32x128xi32, #tpu.memory_space<vmem>>, vector<1x128xi32>
    %gt3A_167 = arith.cmpf ogt, %get3A_163, %select_n3A_159 : vector<1x128xf32>
    %eq3A_168 = arith.cmpf oeq, %get3A_163, %select_n3A_159 : vector<1x128xf32>
    %lt3A_169 = arith.cmpi slt, %get3A_166, %select_n3A_160 : vector<1x128xi32>
    %and3A_170 = arith.andi %eq3A_168, %lt3A_169 : vector<1x128xi1>
    %or3A_171 = arith.ori %gt3A_167, %and3A_170 : vector<1x128xi1>
    %select_n3A_172 = arith.select %or3A_171, %get3A_163, %select_n3A_159 : vector<1x128xi1>, vector<1x128xf32>
    %select_n3A_173 = arith.select %or3A_171, %get3A_166, %select_n3A_160 : vector<1x128xi1>, vector<1x128xi32>
    %get3A_174 = arith.constant 4 : index
    %get3A_175 = arith.constant 0 : index
    %get3A_176 = vector.load %arg0[%get3A_174, %get3A_175] : memref<32x128xf32, #tpu.memory_space<vmem>>, vector<1x128xf32>
    %get3A_177 = arith.constant 4 : index
    %get3A_178 = arith.constant 0 : index
    %get3A_179 = vector.load %arg1[%get3A_177, %get3A_178] : memref<32x128xi32, #tpu.memory_space<vmem>>, vector<1x128xi32>
    %gt3A_180 = arith.cmpf ogt, %get3A_176, %select_n3A_172 : vector<1x128xf32>
    %eq3A_181 = arith.cmpf oeq, %get3A_176, %select_n3A_172 : vector<1x128xf32>
    %lt3A_182 = arith.cmpi slt, %get3A_179, %select_n3A_173 : vector<1x128xi32>
    %and3A_183 = arith.andi %eq3A_181, %lt3A_182 : vector<1x128xi1>
    %or3A_184 = arith.ori %gt3A_180, %and3A_183 : vector<1x128xi1>
    %select_n3A_185 = arith.select %or3A_184, %get3A_176, %select_n3A_172 : vector<1x128xi1>, vector<1x128xf32>
    %select_n3A_186 = arith.select %or3A_184, %get3A_179, %select_n3A_173 : vector<1x128xi1>, vector<1x128xi32>
    %get3A_187 = arith.constant 5 : index
    %get3A_188 = arith.constant 0 : index
    %get3A_189 = vector.load %arg0[%get3A_187, %get3A_188] : memref<32x128xf32, #tpu.memory_space<vmem>>, vector<1x128xf32>
    %get3A_190 = arith.constant 5 : index
    %get3A_191 = arith.constant 0 : index
    %get3A_192 = vector.load %arg1[%get3A_190, %get3A_191] : memref<32x128xi32, #tpu.memory_space<vmem>>, vector<1x128xi32>
    %gt3A_193 = arith.cmpf ogt, %get3A_189, %select_n3A_185 : vector<1x128xf32>
    %eq3A_194 = arith.cmpf oeq, %get3A_189, %select_n3A_185 : vector<1x128xf32>
    %lt3A_195 = arith.cmpi slt, %get3A_192, %select_n3A_186 : vector<1x128xi32>
    %and3A_196 = arith.andi %eq3A_194, %lt3A_195 : vector<1x128xi1>
    %or3A_197 = arith.ori %gt3A_193, %and3A_196 : vector<1x128xi1>
    %select_n3A_198 = arith.select %or3A_197, %get3A_189, %select_n3A_185 : vector<1x128xi1>, vector<1x128xf32>
    %select_n3A_199 = arith.select %or3A_197, %get3A_192, %select_n3A_186 : vector<1x128xi1>, vector<1x128xi32>
    %get3A_200 = arith.constant 6 : index
    %get3A_201 = arith.constant 0 : index
    %get3A_202 = vector.load %arg0[%get3A_200, %get3A_201] : memref<32x128xf32, #tpu.memory_space<vmem>>, vector<1x128xf32>
    %get3A_203 = arith.constant 6 : index
    %get3A_204 = arith.constant 0 : index
    %get3A_205 = vector.load %arg1[%get3A_203, %get3A_204] : memref<32x128xi32, #tpu.memory_space<vmem>>, vector<1x128xi32>
    %gt3A_206 = arith.cmpf ogt, %get3A_202, %select_n3A_198 : vector<1x128xf32>
    %eq3A_207 = arith.cmpf oeq, %get3A_202, %select_n3A_198 : vector<1x128xf32>
    %lt3A_208 = arith.cmpi slt, %get3A_205, %select_n3A_199 : vector<1x128xi32>
    %and3A_209 = arith.andi %eq3A_207, %lt3A_208 : vector<1x128xi1>
    %or3A_210 = arith.ori %gt3A_206, %and3A_209 : vector<1x128xi1>
    %select_n3A_211 = arith.select %or3A_210, %get3A_202, %select_n3A_198 : vector<1x128xi1>, vector<1x128xf32>
    %select_n3A_212 = arith.select %or3A_210, %get3A_205, %select_n3A_199 : vector<1x128xi1>, vector<1x128xi32>
    %get3A_213 = arith.constant 7 : index
    %get3A_214 = arith.constant 0 : index
    %get3A_215 = vector.load %arg0[%get3A_213, %get3A_214] : memref<32x128xf32, #tpu.memory_space<vmem>>, vector<1x128xf32>
    %get3A_216 = arith.constant 7 : index
    %get3A_217 = arith.constant 0 : index
    %get3A_218 = vector.load %arg1[%get3A_216, %get3A_217] : memref<32x128xi32, #tpu.memory_space<vmem>>, vector<1x128xi32>
    %gt3A_219 = arith.cmpf ogt, %get3A_215, %select_n3A_211 : vector<1x128xf32>
    %eq3A_220 = arith.cmpf oeq, %get3A_215, %select_n3A_211 : vector<1x128xf32>
    %lt3A_221 = arith.cmpi slt, %get3A_218, %select_n3A_212 : vector<1x128xi32>
    %and3A_222 = arith.andi %eq3A_220, %lt3A_221 : vector<1x128xi1>
    %or3A_223 = arith.ori %gt3A_219, %and3A_222 : vector<1x128xi1>
    %select_n3A_224 = arith.select %or3A_223, %get3A_215, %select_n3A_211 : vector<1x128xi1>, vector<1x128xf32>
    %select_n3A_225 = arith.select %or3A_223, %get3A_218, %select_n3A_212 : vector<1x128xi1>, vector<1x128xi32>
    %get3A_226 = arith.constant 8 : index
    %get3A_227 = arith.constant 0 : index
    %get3A_228 = vector.load %arg0[%get3A_226, %get3A_227] : memref<32x128xf32, #tpu.memory_space<vmem>>, vector<1x128xf32>
    %get3A_229 = arith.constant 8 : index
    %get3A_230 = arith.constant 0 : index
    %get3A_231 = vector.load %arg1[%get3A_229, %get3A_230] : memref<32x128xi32, #tpu.memory_space<vmem>>, vector<1x128xi32>
    %gt3A_232 = arith.cmpf ogt, %get3A_228, %select_n3A_224 : vector<1x128xf32>
    %eq3A_233 = arith.cmpf oeq, %get3A_228, %select_n3A_224 : vector<1x128xf32>
    %lt3A_234 = arith.cmpi slt, %get3A_231, %select_n3A_225 : vector<1x128xi32>
    %and3A_235 = arith.andi %eq3A_233, %lt3A_234 : vector<1x128xi1>
    %or3A_236 = arith.ori %gt3A_232, %and3A_235 : vector<1x128xi1>
    %select_n3A_237 = arith.select %or3A_236, %get3A_228, %select_n3A_224 : vector<1x128xi1>, vector<1x128xf32>
    %select_n3A_238 = arith.select %or3A_236, %get3A_231, %select_n3A_225 : vector<1x128xi1>, vector<1x128xi32>
    %get3A_239 = arith.constant 9 : index
    %get3A_240 = arith.constant 0 : index
    %get3A_241 = vector.load %arg0[%get3A_239, %get3A_240] : memref<32x128xf32, #tpu.memory_space<vmem>>, vector<1x128xf32>
    %get3A_242 = arith.constant 9 : index
    %get3A_243 = arith.constant 0 : index
    %get3A_244 = vector.load %arg1[%get3A_242, %get3A_243] : memref<32x128xi32, #tpu.memory_space<vmem>>, vector<1x128xi32>
    %gt3A_245 = arith.cmpf ogt, %get3A_241, %select_n3A_237 : vector<1x128xf32>
    %eq3A_246 = arith.cmpf oeq, %get3A_241, %select_n3A_237 : vector<1x128xf32>
    %lt3A_247 = arith.cmpi slt, %get3A_244, %select_n3A_238 : vector<1x128xi32>
    %and3A_248 = arith.andi %eq3A_246, %lt3A_247 : vector<1x128xi1>
    %or3A_249 = arith.ori %gt3A_245, %and3A_248 : vector<1x128xi1>
    %select_n3A_250 = arith.select %or3A_249, %get3A_241, %select_n3A_237 : vector<1x128xi1>, vector<1x128xf32>
    %select_n3A_251 = arith.select %or3A_249, %get3A_244, %select_n3A_238 : vector<1x128xi1>, vector<1x128xi32>
    %get3A_252 = arith.constant 10 : index
    %get3A_253 = arith.constant 0 : index
    %get3A_254 = vector.load %arg0[%get3A_252, %get3A_253] : memref<32x128xf32, #tpu.memory_space<vmem>>, vector<1x128xf32>
    %get3A_255 = arith.constant 10 : index
    %get3A_256 = arith.constant 0 : index
    %get3A_257 = vector.load %arg1[%get3A_255, %get3A_256] : memref<32x128xi32, #tpu.memory_space<vmem>>, vector<1x128xi32>
    %gt3A_258 = arith.cmpf ogt, %get3A_254, %select_n3A_250 : vector<1x128xf32>
    %eq3A_259 = arith.cmpf oeq, %get3A_254, %select_n3A_250 : vector<1x128xf32>
    %lt3A_260 = arith.cmpi slt, %get3A_257, %select_n3A_251 : vector<1x128xi32>
    %and3A_261 = arith.andi %eq3A_259, %lt3A_260 : vector<1x128xi1>
    %or3A_262 = arith.ori %gt3A_258, %and3A_261 : vector<1x128xi1>
    %select_n3A_263 = arith.select %or3A_262, %get3A_254, %select_n3A_250 : vector<1x128xi1>, vector<1x128xf32>
    %select_n3A_264 = arith.select %or3A_262, %get3A_257, %select_n3A_251 : vector<1x128xi1>, vector<1x128xi32>
    %get3A_265 = arith.constant 11 : index
    %get3A_266 = arith.constant 0 : index
    %get3A_267 = vector.load %arg0[%get3A_265, %get3A_266] : memref<32x128xf32, #tpu.memory_space<vmem>>, vector<1x128xf32>
    %get3A_268 = arith.constant 11 : index
    %get3A_269 = arith.constant 0 : index
    %get3A_270 = vector.load %arg1[%get3A_268, %get3A_269] : memref<32x128xi32, #tpu.memory_space<vmem>>, vector<1x128xi32>
    %gt3A_271 = arith.cmpf ogt, %get3A_267, %select_n3A_263 : vector<1x128xf32>
    %eq3A_272 = arith.cmpf oeq, %get3A_267, %select_n3A_263 : vector<1x128xf32>
    %lt3A_273 = arith.cmpi slt, %get3A_270, %select_n3A_264 : vector<1x128xi32>
    %and3A_274 = arith.andi %eq3A_272, %lt3A_273 : vector<1x128xi1>
    %or3A_275 = arith.ori %gt3A_271, %and3A_274 : vector<1x128xi1>
    %select_n3A_276 = arith.select %or3A_275, %get3A_267, %select_n3A_263 : vector<1x128xi1>, vector<1x128xf32>
    %select_n3A_277 = arith.select %or3A_275, %get3A_270, %select_n3A_264 : vector<1x128xi1>, vector<1x128xi32>
    %get3A_278 = arith.constant 12 : index
    %get3A_279 = arith.constant 0 : index
    %get3A_280 = vector.load %arg0[%get3A_278, %get3A_279] : memref<32x128xf32, #tpu.memory_space<vmem>>, vector<1x128xf32>
    %get3A_281 = arith.constant 12 : index
    %get3A_282 = arith.constant 0 : index
    %get3A_283 = vector.load %arg1[%get3A_281, %get3A_282] : memref<32x128xi32, #tpu.memory_space<vmem>>, vector<1x128xi32>
    %gt3A_284 = arith.cmpf ogt, %get3A_280, %select_n3A_276 : vector<1x128xf32>
    %eq3A_285 = arith.cmpf oeq, %get3A_280, %select_n3A_276 : vector<1x128xf32>
    %lt3A_286 = arith.cmpi slt, %get3A_283, %select_n3A_277 : vector<1x128xi32>
    %and3A_287 = arith.andi %eq3A_285, %lt3A_286 : vector<1x128xi1>
    %or3A_288 = arith.ori %gt3A_284, %and3A_287 : vector<1x128xi1>
    %select_n3A_289 = arith.select %or3A_288, %get3A_280, %select_n3A_276 : vector<1x128xi1>, vector<1x128xf32>
    %select_n3A_290 = arith.select %or3A_288, %get3A_283, %select_n3A_277 : vector<1x128xi1>, vector<1x128xi32>
    %get3A_291 = arith.constant 13 : index
    %get3A_292 = arith.constant 0 : index
    %get3A_293 = vector.load %arg0[%get3A_291, %get3A_292] : memref<32x128xf32, #tpu.memory_space<vmem>>, vector<1x128xf32>
    %get3A_294 = arith.constant 13 : index
    %get3A_295 = arith.constant 0 : index
    %get3A_296 = vector.load %arg1[%get3A_294, %get3A_295] : memref<32x128xi32, #tpu.memory_space<vmem>>, vector<1x128xi32>
    %gt3A_297 = arith.cmpf ogt, %get3A_293, %select_n3A_289 : vector<1x128xf32>
    %eq3A_298 = arith.cmpf oeq, %get3A_293, %select_n3A_289 : vector<1x128xf32>
    %lt3A_299 = arith.cmpi slt, %get3A_296, %select_n3A_290 : vector<1x128xi32>
    %and3A_300 = arith.andi %eq3A_298, %lt3A_299 : vector<1x128xi1>
    %or3A_301 = arith.ori %gt3A_297, %and3A_300 : vector<1x128xi1>
    %select_n3A_302 = arith.select %or3A_301, %get3A_293, %select_n3A_289 : vector<1x128xi1>, vector<1x128xf32>
    %select_n3A_303 = arith.select %or3A_301, %get3A_296, %select_n3A_290 : vector<1x128xi1>, vector<1x128xi32>
    %get3A_304 = arith.constant 14 : index
    %get3A_305 = arith.constant 0 : index
    %get3A_306 = vector.load %arg0[%get3A_304, %get3A_305] : memref<32x128xf32, #tpu.memory_space<vmem>>, vector<1x128xf32>
    %get3A_307 = arith.constant 14 : index
    %get3A_308 = arith.constant 0 : index
    %get3A_309 = vector.load %arg1[%get3A_307, %get3A_308] : memref<32x128xi32, #tpu.memory_space<vmem>>, vector<1x128xi32>
    %gt3A_310 = arith.cmpf ogt, %get3A_306, %select_n3A_302 : vector<1x128xf32>
    %eq3A_311 = arith.cmpf oeq, %get3A_306, %select_n3A_302 : vector<1x128xf32>
    %lt3A_312 = arith.cmpi slt, %get3A_309, %select_n3A_303 : vector<1x128xi32>
    %and3A_313 = arith.andi %eq3A_311, %lt3A_312 : vector<1x128xi1>
    %or3A_314 = arith.ori %gt3A_310, %and3A_313 : vector<1x128xi1>
    %select_n3A_315 = arith.select %or3A_314, %get3A_306, %select_n3A_302 : vector<1x128xi1>, vector<1x128xf32>
    %select_n3A_316 = arith.select %or3A_314, %get3A_309, %select_n3A_303 : vector<1x128xi1>, vector<1x128xi32>
    %get3A_317 = arith.constant 15 : index
    %get3A_318 = arith.constant 0 : index
    %get3A_319 = vector.load %arg0[%get3A_317, %get3A_318] : memref<32x128xf32, #tpu.memory_space<vmem>>, vector<1x128xf32>
    %get3A_320 = arith.constant 15 : index
    %get3A_321 = arith.constant 0 : index
    %get3A_322 = vector.load %arg1[%get3A_320, %get3A_321] : memref<32x128xi32, #tpu.memory_space<vmem>>, vector<1x128xi32>
    %gt3A_323 = arith.cmpf ogt, %get3A_319, %select_n3A_315 : vector<1x128xf32>
    %eq3A_324 = arith.cmpf oeq, %get3A_319, %select_n3A_315 : vector<1x128xf32>
    %lt3A_325 = arith.cmpi slt, %get3A_322, %select_n3A_316 : vector<1x128xi32>
    %and3A_326 = arith.andi %eq3A_324, %lt3A_325 : vector<1x128xi1>
    %or3A_327 = arith.ori %gt3A_323, %and3A_326 : vector<1x128xi1>
    %select_n3A_328 = arith.select %or3A_327, %get3A_319, %select_n3A_315 : vector<1x128xi1>, vector<1x128xf32>
    %select_n3A_329 = arith.select %or3A_327, %get3A_322, %select_n3A_316 : vector<1x128xi1>, vector<1x128xi32>
    %get3A_330 = arith.constant 16 : index
    %get3A_331 = arith.constant 0 : index
    %get3A_332 = vector.load %arg0[%get3A_330, %get3A_331] : memref<32x128xf32, #tpu.memory_space<vmem>>, vector<1x128xf32>
    %get3A_333 = arith.constant 16 : index
    %get3A_334 = arith.constant 0 : index
    %get3A_335 = vector.load %arg1[%get3A_333, %get3A_334] : memref<32x128xi32, #tpu.memory_space<vmem>>, vector<1x128xi32>
    %gt3A_336 = arith.cmpf ogt, %get3A_332, %select_n3A_328 : vector<1x128xf32>
    %eq3A_337 = arith.cmpf oeq, %get3A_332, %select_n3A_328 : vector<1x128xf32>
    %lt3A_338 = arith.cmpi slt, %get3A_335, %select_n3A_329 : vector<1x128xi32>
    %and3A_339 = arith.andi %eq3A_337, %lt3A_338 : vector<1x128xi1>
    %or3A_340 = arith.ori %gt3A_336, %and3A_339 : vector<1x128xi1>
    %select_n3A_341 = arith.select %or3A_340, %get3A_332, %select_n3A_328 : vector<1x128xi1>, vector<1x128xf32>
    %select_n3A_342 = arith.select %or3A_340, %get3A_335, %select_n3A_329 : vector<1x128xi1>, vector<1x128xi32>
    %get3A_343 = arith.constant 17 : index
    %get3A_344 = arith.constant 0 : index
    %get3A_345 = vector.load %arg0[%get3A_343, %get3A_344] : memref<32x128xf32, #tpu.memory_space<vmem>>, vector<1x128xf32>
    %get3A_346 = arith.constant 17 : index
    %get3A_347 = arith.constant 0 : index
    %get3A_348 = vector.load %arg1[%get3A_346, %get3A_347] : memref<32x128xi32, #tpu.memory_space<vmem>>, vector<1x128xi32>
    %gt3A_349 = arith.cmpf ogt, %get3A_345, %select_n3A_341 : vector<1x128xf32>
    %eq3A_350 = arith.cmpf oeq, %get3A_345, %select_n3A_341 : vector<1x128xf32>
    %lt3A_351 = arith.cmpi slt, %get3A_348, %select_n3A_342 : vector<1x128xi32>
    %and3A_352 = arith.andi %eq3A_350, %lt3A_351 : vector<1x128xi1>
    %or3A_353 = arith.ori %gt3A_349, %and3A_352 : vector<1x128xi1>
    %select_n3A_354 = arith.select %or3A_353, %get3A_345, %select_n3A_341 : vector<1x128xi1>, vector<1x128xf32>
    %select_n3A_355 = arith.select %or3A_353, %get3A_348, %select_n3A_342 : vector<1x128xi1>, vector<1x128xi32>
    %get3A_356 = arith.constant 18 : index
    %get3A_357 = arith.constant 0 : index
    %get3A_358 = vector.load %arg0[%get3A_356, %get3A_357] : memref<32x128xf32, #tpu.memory_space<vmem>>, vector<1x128xf32>
    %get3A_359 = arith.constant 18 : index
    %get3A_360 = arith.constant 0 : index
    %get3A_361 = vector.load %arg1[%get3A_359, %get3A_360] : memref<32x128xi32, #tpu.memory_space<vmem>>, vector<1x128xi32>
    %gt3A_362 = arith.cmpf ogt, %get3A_358, %select_n3A_354 : vector<1x128xf32>
    %eq3A_363 = arith.cmpf oeq, %get3A_358, %select_n3A_354 : vector<1x128xf32>
    %lt3A_364 = arith.cmpi slt, %get3A_361, %select_n3A_355 : vector<1x128xi32>
    %and3A_365 = arith.andi %eq3A_363, %lt3A_364 : vector<1x128xi1>
    %or3A_366 = arith.ori %gt3A_362, %and3A_365 : vector<1x128xi1>
    %select_n3A_367 = arith.select %or3A_366, %get3A_358, %select_n3A_354 : vector<1x128xi1>, vector<1x128xf32>
    %select_n3A_368 = arith.select %or3A_366, %get3A_361, %select_n3A_355 : vector<1x128xi1>, vector<1x128xi32>
    %get3A_369 = arith.constant 19 : index
    %get3A_370 = arith.constant 0 : index
    %get3A_371 = vector.load %arg0[%get3A_369, %get3A_370] : memref<32x128xf32, #tpu.memory_space<vmem>>, vector<1x128xf32>
    %get3A_372 = arith.constant 19 : index
    %get3A_373 = arith.constant 0 : index
    %get3A_374 = vector.load %arg1[%get3A_372, %get3A_373] : memref<32x128xi32, #tpu.memory_space<vmem>>, vector<1x128xi32>
    %gt3A_375 = arith.cmpf ogt, %get3A_371, %select_n3A_367 : vector<1x128xf32>
    %eq3A_376 = arith.cmpf oeq, %get3A_371, %select_n3A_367 : vector<1x128xf32>
    %lt3A_377 = arith.cmpi slt, %get3A_374, %select_n3A_368 : vector<1x128xi32>
    %and3A_378 = arith.andi %eq3A_376, %lt3A_377 : vector<1x128xi1>
    %or3A_379 = arith.ori %gt3A_375, %and3A_378 : vector<1x128xi1>
    %select_n3A_380 = arith.select %or3A_379, %get3A_371, %select_n3A_367 : vector<1x128xi1>, vector<1x128xf32>
    %select_n3A_381 = arith.select %or3A_379, %get3A_374, %select_n3A_368 : vector<1x128xi1>, vector<1x128xi32>
    %get3A_382 = arith.constant 20 : index
    %get3A_383 = arith.constant 0 : index
    %get3A_384 = vector.load %arg0[%get3A_382, %get3A_383] : memref<32x128xf32, #tpu.memory_space<vmem>>, vector<1x128xf32>
    %get3A_385 = arith.constant 20 : index
    %get3A_386 = arith.constant 0 : index
    %get3A_387 = vector.load %arg1[%get3A_385, %get3A_386] : memref<32x128xi32, #tpu.memory_space<vmem>>, vector<1x128xi32>
    %gt3A_388 = arith.cmpf ogt, %get3A_384, %select_n3A_380 : vector<1x128xf32>
    %eq3A_389 = arith.cmpf oeq, %get3A_384, %select_n3A_380 : vector<1x128xf32>
    %lt3A_390 = arith.cmpi slt, %get3A_387, %select_n3A_381 : vector<1x128xi32>
    %and3A_391 = arith.andi %eq3A_389, %lt3A_390 : vector<1x128xi1>
    %or3A_392 = arith.ori %gt3A_388, %and3A_391 : vector<1x128xi1>
    %select_n3A_393 = arith.select %or3A_392, %get3A_384, %select_n3A_380 : vector<1x128xi1>, vector<1x128xf32>
    %select_n3A_394 = arith.select %or3A_392, %get3A_387, %select_n3A_381 : vector<1x128xi1>, vector<1x128xi32>
    %get3A_395 = arith.constant 21 : index
    %get3A_396 = arith.constant 0 : index
    %get3A_397 = vector.load %arg0[%get3A_395, %get3A_396] : memref<32x128xf32, #tpu.memory_space<vmem>>, vector<1x128xf32>
    %get3A_398 = arith.constant 21 : index
    %get3A_399 = arith.constant 0 : index
    %get3A_400 = vector.load %arg1[%get3A_398, %get3A_399] : memref<32x128xi32, #tpu.memory_space<vmem>>, vector<1x128xi32>
    %gt3A_401 = arith.cmpf ogt, %get3A_397, %select_n3A_393 : vector<1x128xf32>
    %eq3A_402 = arith.cmpf oeq, %get3A_397, %select_n3A_393 : vector<1x128xf32>
    %lt3A_403 = arith.cmpi slt, %get3A_400, %select_n3A_394 : vector<1x128xi32>
    %and3A_404 = arith.andi %eq3A_402, %lt3A_403 : vector<1x128xi1>
    %or3A_405 = arith.ori %gt3A_401, %and3A_404 : vector<1x128xi1>
    %select_n3A_406 = arith.select %or3A_405, %get3A_397, %select_n3A_393 : vector<1x128xi1>, vector<1x128xf32>
    %select_n3A_407 = arith.select %or3A_405, %get3A_400, %select_n3A_394 : vector<1x128xi1>, vector<1x128xi32>
    %get3A_408 = arith.constant 22 : index
    %get3A_409 = arith.constant 0 : index
    %get3A_410 = vector.load %arg0[%get3A_408, %get3A_409] : memref<32x128xf32, #tpu.memory_space<vmem>>, vector<1x128xf32>
    %get3A_411 = arith.constant 22 : index
    %get3A_412 = arith.constant 0 : index
    %get3A_413 = vector.load %arg1[%get3A_411, %get3A_412] : memref<32x128xi32, #tpu.memory_space<vmem>>, vector<1x128xi32>
    %gt3A_414 = arith.cmpf ogt, %get3A_410, %select_n3A_406 : vector<1x128xf32>
    %eq3A_415 = arith.cmpf oeq, %get3A_410, %select_n3A_406 : vector<1x128xf32>
    %lt3A_416 = arith.cmpi slt, %get3A_413, %select_n3A_407 : vector<1x128xi32>
    %and3A_417 = arith.andi %eq3A_415, %lt3A_416 : vector<1x128xi1>
    %or3A_418 = arith.ori %gt3A_414, %and3A_417 : vector<1x128xi1>
    %select_n3A_419 = arith.select %or3A_418, %get3A_410, %select_n3A_406 : vector<1x128xi1>, vector<1x128xf32>
    %select_n3A_420 = arith.select %or3A_418, %get3A_413, %select_n3A_407 : vector<1x128xi1>, vector<1x128xi32>
    %get3A_421 = arith.constant 23 : index
    %get3A_422 = arith.constant 0 : index
    %get3A_423 = vector.load %arg0[%get3A_421, %get3A_422] : memref<32x128xf32, #tpu.memory_space<vmem>>, vector<1x128xf32>
    %get3A_424 = arith.constant 23 : index
    %get3A_425 = arith.constant 0 : index
    %get3A_426 = vector.load %arg1[%get3A_424, %get3A_425] : memref<32x128xi32, #tpu.memory_space<vmem>>, vector<1x128xi32>
    %gt3A_427 = arith.cmpf ogt, %get3A_423, %select_n3A_419 : vector<1x128xf32>
    %eq3A_428 = arith.cmpf oeq, %get3A_423, %select_n3A_419 : vector<1x128xf32>
    %lt3A_429 = arith.cmpi slt, %get3A_426, %select_n3A_420 : vector<1x128xi32>
    %and3A_430 = arith.andi %eq3A_428, %lt3A_429 : vector<1x128xi1>
    %or3A_431 = arith.ori %gt3A_427, %and3A_430 : vector<1x128xi1>
    %select_n3A_432 = arith.select %or3A_431, %get3A_423, %select_n3A_419 : vector<1x128xi1>, vector<1x128xf32>
    %select_n3A_433 = arith.select %or3A_431, %get3A_426, %select_n3A_420 : vector<1x128xi1>, vector<1x128xi32>
    %get3A_434 = arith.constant 24 : index
    %get3A_435 = arith.constant 0 : index
    %get3A_436 = vector.load %arg0[%get3A_434, %get3A_435] : memref<32x128xf32, #tpu.memory_space<vmem>>, vector<1x128xf32>
    %get3A_437 = arith.constant 24 : index
    %get3A_438 = arith.constant 0 : index
    %get3A_439 = vector.load %arg1[%get3A_437, %get3A_438] : memref<32x128xi32, #tpu.memory_space<vmem>>, vector<1x128xi32>
    %gt3A_440 = arith.cmpf ogt, %get3A_436, %select_n3A_432 : vector<1x128xf32>
    %eq3A_441 = arith.cmpf oeq, %get3A_436, %select_n3A_432 : vector<1x128xf32>
    %lt3A_442 = arith.cmpi slt, %get3A_439, %select_n3A_433 : vector<1x128xi32>
    %and3A_443 = arith.andi %eq3A_441, %lt3A_442 : vector<1x128xi1>
    %or3A_444 = arith.ori %gt3A_440, %and3A_443 : vector<1x128xi1>
    %select_n3A_445 = arith.select %or3A_444, %get3A_436, %select_n3A_432 : vector<1x128xi1>, vector<1x128xf32>
    %select_n3A_446 = arith.select %or3A_444, %get3A_439, %select_n3A_433 : vector<1x128xi1>, vector<1x128xi32>
    %get3A_447 = arith.constant 25 : index
    %get3A_448 = arith.constant 0 : index
    %get3A_449 = vector.load %arg0[%get3A_447, %get3A_448] : memref<32x128xf32, #tpu.memory_space<vmem>>, vector<1x128xf32>
    %get3A_450 = arith.constant 25 : index
    %get3A_451 = arith.constant 0 : index
    %get3A_452 = vector.load %arg1[%get3A_450, %get3A_451] : memref<32x128xi32, #tpu.memory_space<vmem>>, vector<1x128xi32>
    %gt3A_453 = arith.cmpf ogt, %get3A_449, %select_n3A_445 : vector<1x128xf32>
    %eq3A_454 = arith.cmpf oeq, %get3A_449, %select_n3A_445 : vector<1x128xf32>
    %lt3A_455 = arith.cmpi slt, %get3A_452, %select_n3A_446 : vector<1x128xi32>
    %and3A_456 = arith.andi %eq3A_454, %lt3A_455 : vector<1x128xi1>
    %or3A_457 = arith.ori %gt3A_453, %and3A_456 : vector<1x128xi1>
    %select_n3A_458 = arith.select %or3A_457, %get3A_449, %select_n3A_445 : vector<1x128xi1>, vector<1x128xf32>
    %select_n3A_459 = arith.select %or3A_457, %get3A_452, %select_n3A_446 : vector<1x128xi1>, vector<1x128xi32>
    %get3A_460 = arith.constant 26 : index
    %get3A_461 = arith.constant 0 : index
    %get3A_462 = vector.load %arg0[%get3A_460, %get3A_461] : memref<32x128xf32, #tpu.memory_space<vmem>>, vector<1x128xf32>
    %get3A_463 = arith.constant 26 : index
    %get3A_464 = arith.constant 0 : index
    %get3A_465 = vector.load %arg1[%get3A_463, %get3A_464] : memref<32x128xi32, #tpu.memory_space<vmem>>, vector<1x128xi32>
    %gt3A_466 = arith.cmpf ogt, %get3A_462, %select_n3A_458 : vector<1x128xf32>
    %eq3A_467 = arith.cmpf oeq, %get3A_462, %select_n3A_458 : vector<1x128xf32>
    %lt3A_468 = arith.cmpi slt, %get3A_465, %select_n3A_459 : vector<1x128xi32>
    %and3A_469 = arith.andi %eq3A_467, %lt3A_468 : vector<1x128xi1>
    %or3A_470 = arith.ori %gt3A_466, %and3A_469 : vector<1x128xi1>
    %select_n3A_471 = arith.select %or3A_470, %get3A_462, %select_n3A_458 : vector<1x128xi1>, vector<1x128xf32>
    %select_n3A_472 = arith.select %or3A_470, %get3A_465, %select_n3A_459 : vector<1x128xi1>, vector<1x128xi32>
    %get3A_473 = arith.constant 27 : index
    %get3A_474 = arith.constant 0 : index
    %get3A_475 = vector.load %arg0[%get3A_473, %get3A_474] : memref<32x128xf32, #tpu.memory_space<vmem>>, vector<1x128xf32>
    %get3A_476 = arith.constant 27 : index
    %get3A_477 = arith.constant 0 : index
    %get3A_478 = vector.load %arg1[%get3A_476, %get3A_477] : memref<32x128xi32, #tpu.memory_space<vmem>>, vector<1x128xi32>
    %gt3A_479 = arith.cmpf ogt, %get3A_475, %select_n3A_471 : vector<1x128xf32>
    %eq3A_480 = arith.cmpf oeq, %get3A_475, %select_n3A_471 : vector<1x128xf32>
    %lt3A_481 = arith.cmpi slt, %get3A_478, %select_n3A_472 : vector<1x128xi32>
    %and3A_482 = arith.andi %eq3A_480, %lt3A_481 : vector<1x128xi1>
    %or3A_483 = arith.ori %gt3A_479, %and3A_482 : vector<1x128xi1>
    %select_n3A_484 = arith.select %or3A_483, %get3A_475, %select_n3A_471 : vector<1x128xi1>, vector<1x128xf32>
    %select_n3A_485 = arith.select %or3A_483, %get3A_478, %select_n3A_472 : vector<1x128xi1>, vector<1x128xi32>
    %get3A_486 = arith.constant 28 : index
    %get3A_487 = arith.constant 0 : index
    %get3A_488 = vector.load %arg0[%get3A_486, %get3A_487] : memref<32x128xf32, #tpu.memory_space<vmem>>, vector<1x128xf32>
    %get3A_489 = arith.constant 28 : index
    %get3A_490 = arith.constant 0 : index
    %get3A_491 = vector.load %arg1[%get3A_489, %get3A_490] : memref<32x128xi32, #tpu.memory_space<vmem>>, vector<1x128xi32>
    %gt3A_492 = arith.cmpf ogt, %get3A_488, %select_n3A_484 : vector<1x128xf32>
    %eq3A_493 = arith.cmpf oeq, %get3A_488, %select_n3A_484 : vector<1x128xf32>
    %lt3A_494 = arith.cmpi slt, %get3A_491, %select_n3A_485 : vector<1x128xi32>
    %and3A_495 = arith.andi %eq3A_493, %lt3A_494 : vector<1x128xi1>
    %or3A_496 = arith.ori %gt3A_492, %and3A_495 : vector<1x128xi1>
    %select_n3A_497 = arith.select %or3A_496, %get3A_488, %select_n3A_484 : vector<1x128xi1>, vector<1x128xf32>
    %select_n3A_498 = arith.select %or3A_496, %get3A_491, %select_n3A_485 : vector<1x128xi1>, vector<1x128xi32>
    %get3A_499 = arith.constant 29 : index
    %get3A_500 = arith.constant 0 : index
    %get3A_501 = vector.load %arg0[%get3A_499, %get3A_500] : memref<32x128xf32, #tpu.memory_space<vmem>>, vector<1x128xf32>
    %get3A_502 = arith.constant 29 : index
    %get3A_503 = arith.constant 0 : index
    %get3A_504 = vector.load %arg1[%get3A_502, %get3A_503] : memref<32x128xi32, #tpu.memory_space<vmem>>, vector<1x128xi32>
    %gt3A_505 = arith.cmpf ogt, %get3A_501, %select_n3A_497 : vector<1x128xf32>
    %eq3A_506 = arith.cmpf oeq, %get3A_501, %select_n3A_497 : vector<1x128xf32>
    %lt3A_507 = arith.cmpi slt, %get3A_504, %select_n3A_498 : vector<1x128xi32>
    %and3A_508 = arith.andi %eq3A_506, %lt3A_507 : vector<1x128xi1>
    %or3A_509 = arith.ori %gt3A_505, %and3A_508 : vector<1x128xi1>
    %select_n3A_510 = arith.select %or3A_509, %get3A_501, %select_n3A_497 : vector<1x128xi1>, vector<1x128xf32>
    %select_n3A_511 = arith.select %or3A_509, %get3A_504, %select_n3A_498 : vector<1x128xi1>, vector<1x128xi32>
    %get3A_512 = arith.constant 30 : index
    %get3A_513 = arith.constant 0 : index
    %get3A_514 = vector.load %arg0[%get3A_512, %get3A_513] : memref<32x128xf32, #tpu.memory_space<vmem>>, vector<1x128xf32>
    %get3A_515 = arith.constant 30 : index
    %get3A_516 = arith.constant 0 : index
    %get3A_517 = vector.load %arg1[%get3A_515, %get3A_516] : memref<32x128xi32, #tpu.memory_space<vmem>>, vector<1x128xi32>
    %gt3A_518 = arith.cmpf ogt, %get3A_514, %select_n3A_510 : vector<1x128xf32>
    %eq3A_519 = arith.cmpf oeq, %get3A_514, %select_n3A_510 : vector<1x128xf32>
    %lt3A_520 = arith.cmpi slt, %get3A_517, %select_n3A_511 : vector<1x128xi32>
    %and3A_521 = arith.andi %eq3A_519, %lt3A_520 : vector<1x128xi1>
    %or3A_522 = arith.ori %gt3A_518, %and3A_521 : vector<1x128xi1>
    %select_n3A_523 = arith.select %or3A_522, %get3A_514, %select_n3A_510 : vector<1x128xi1>, vector<1x128xf32>
    %select_n3A_524 = arith.select %or3A_522, %get3A_517, %select_n3A_511 : vector<1x128xi1>, vector<1x128xi32>
    %get3A_525 = arith.constant 31 : index
    %get3A_526 = arith.constant 0 : index
    %get3A_527 = vector.load %arg0[%get3A_525, %get3A_526] : memref<32x128xf32, #tpu.memory_space<vmem>>, vector<1x128xf32>
    %get3A_528 = arith.constant 31 : index
    %get3A_529 = arith.constant 0 : index
    %get3A_530 = vector.load %arg1[%get3A_528, %get3A_529] : memref<32x128xi32, #tpu.memory_space<vmem>>, vector<1x128xi32>
    %gt3A_531 = arith.cmpf ogt, %get3A_527, %select_n3A_523 : vector<1x128xf32>
    %eq3A_532 = arith.cmpf oeq, %get3A_527, %select_n3A_523 : vector<1x128xf32>
    %lt3A_533 = arith.cmpi slt, %get3A_530, %select_n3A_524 : vector<1x128xi32>
    %and3A_534 = arith.andi %eq3A_532, %lt3A_533 : vector<1x128xi1>
    %or3A_535 = arith.ori %gt3A_531, %and3A_534 : vector<1x128xi1>
    %select_n3A_536 = arith.select %or3A_535, %get3A_530, %select_n3A_524 : vector<1x128xi1>, vector<1x128xi32>
    %get3A_537 = arith.constant 0 : index
    %get3A_538 = arith.constant 0 : index
    %get3A_539 = vector.load %arg4[%get3A_537, %get3A_538] : memref<1x128xi32, #tpu.memory_space<vmem>>, vector<1x128xi32>
    %ne3A = arith.constant 0 : i32
    %ne3A_540 = vector.broadcast %ne3A : i32 to vector<1x128xi32>
    %ne3A_541 = arith.cmpi ne, %get3A_539, %ne3A_540 : vector<1x128xi32>
    %broadcast_in_dim3A = arith.constant 2 : i32
    %broadcast_in_dim3A_542 = vector.broadcast %broadcast_in_dim3A : i32 to vector<1x128xi32>
    %select_n3A_543 = arith.select %ne3A_541, %select_n3A_536, %broadcast_in_dim3A_542 : vector<1x128xi1>, vector<1x128xi32>
    %ne3A_544 = arith.constant 2 : i32
    %ne3A_545 = vector.broadcast %ne3A_544 : i32 to vector<1x128xi32>
    %ne3A_546 = arith.cmpi ne, %select_n3A_543, %ne3A_545 : vector<1x128xi32>
    %convert_element_type3A = arith.extui %ne3A_546 : vector<1x128xi1> to vector<1x128xi32>
    %swap3A = arith.constant 0 : index
    %swap3A_547 = arith.constant 0 : index
    %swap3A_548 = vector.load %arg8[%swap3A, %swap3A_547] : memref<1x128xi32, #tpu.memory_space<vmem>>, vector<1x128xi32>
    tpu.vector_store %arg8[%swap3A, %swap3A_547], %convert_element_type3A {strides = array<i32>} : memref<1x128xi32, #tpu.memory_space<vmem>>, vector<1x128xi32>,
    %get3A_549 = arith.constant 0 : index
    %get3A_550 = arith.constant 0 : index
    %get3A_551 = vector.load %arg6[%get3A_549, %get3A_550] : memref<128x2048xi32, #tpu.memory_space<vmem>>, vector<128x2048xi32>
    %swap3A_552 = arith.constant 0 : index
    %swap3A_553 = arith.constant 0 : index
    %swap3A_554 = vector.load %arg7[%swap3A_552, %swap3A_553] : memref<128x2048xi32, #tpu.memory_space<vmem>>, vector<128x2048xi32>
    tpu.vector_store %arg7[%swap3A_552, %swap3A_553], %get3A_551 {strides = array<i32>} : memref<128x2048xi32, #tpu.memory_space<vmem>>, vector<128x2048xi32>,
    %get3A_555 = arith.constant 0 : index
    %get3A_556 = memref.load %arg5[%get3A_555] : memref<1xi32, #tpu.memory_space<smem>>
    %jit3A = arith.constant 128 : i32
    %div3A = arith.divsi %get3A_556, %jit3A : i32
    %sign3A = arith.constant 0 : i32
    %sign3A_557 = arith.cmpi sgt, %get3A_556, %sign3A : i32
    %sign3A_558 = arith.extui %sign3A_557 : i1 to i32
    %sign3A_559 = arith.constant 0 : i32
    %sign3A_560 = arith.cmpi slt, %get3A_556, %sign3A_559 : i32
    %sign3A_561 = arith.extui %sign3A_560 : i1 to i32
    %sign3A_562 = arith.subi %sign3A_558, %sign3A_561 : i32
    %sign3A_563 = arith.constant 0 : i32
    %sign3A_564 = arith.cmpi sgt, %jit3A, %sign3A_563 : i32
    %sign3A_565 = arith.extui %sign3A_564 : i1 to i32
    %sign3A_566 = arith.constant 0 : i32
    %sign3A_567 = arith.cmpi slt, %jit3A, %sign3A_566 : i32
    %sign3A_568 = arith.extui %sign3A_567 : i1 to i32
    %sign3A_569 = arith.subi %sign3A_565, %sign3A_568 : i32
    %ne3A_570 = arith.cmpi ne, %sign3A_562, %sign3A_569 : i32
    %rem3A = arith.remsi %get3A_556, %jit3A : i32
    %ne3A_571 = arith.constant 0 : i32
    %ne3A_572 = arith.cmpi ne, %rem3A, %ne3A_571 : i32
    %and3A_573 = arith.andi %ne3A_570, %ne3A_572 : i1
    %sub3A = arith.constant 1 : i32
    %sub3A_574 = arith.subi %div3A, %sub3A : i32
    %select_n3A_575 = arith.select %and3A_573, %sub3A_574, %div3A : i32
    %mul3A = arith.constant 128 : i32
    %mul3A_576 = arith.muli %select_n3A_575, %mul3A : i32
    %multiple_of3A = tpu.assume_multiple %mul3A_576, 128 : i32
    %get3A_577 = arith.constant 0 : index
    %get3A_578 = arith.index_cast %multiple_of3A : i32 to index
    %get3A_579 = vector.load %arg7[%get3A_577, %get3A_578] : memref<128x2048xi32, #tpu.memory_space<vmem>>, vector<128x128xi32>
    %iota3A = tpu.iota {dimensions = array<i32: 1>} : vector<128x128xi32>
    %reshape3A = vector.shape_cast %select_n3A_543 : vector<1x128xi32> to vector<128x1xi32>
    %broadcast_in_dim3A_580 = vector.shape_cast %reshape3A : vector<128x1xi32> to vector<128x1xi32>
    %broadcast_in_dim3A_581 = vector.broadcast %broadcast_in_dim3A_580 : vector<128x1xi32> to vector<128x128xi32>
    %sub3A_582 = arith.subi %get3A_556, %multiple_of3A : i32
    %eq3A_583 = vector.broadcast %sub3A_582 : i32 to vector<128x128xi32>
    %eq3A_584 = arith.cmpi eq, %iota3A, %eq3A_583 : vector<128x128xi32>
    %select_n3A_585 = arith.select %eq3A_584, %broadcast_in_dim3A_581, %get3A_579 : vector<128x128xi1>, vector<128x128xi32>
    %swap3A_586 = arith.constant 0 : index
    %swap3A_587 = arith.index_cast %multiple_of3A : i32 to index
    %swap3A_588 = vector.load %arg7[%swap3A_586, %swap3A_587] : memref<128x2048xi32, #tpu.memory_space<vmem>>, vector<128x128xi32>
    tpu.vector_store %arg7[%swap3A_586, %swap3A_587], %select_n3A_585 {strides = array<i32>} : memref<128x2048xi32, #tpu.memory_space<vmem>>, vector<128x128xi32>,
    return
  }
}

</mosaic_0001>

<sc_bundles>
// kernel: kernel.5.cloned.1.call-start
scs
__scs_entry_jumppad:
0x0: {  	(pc) =	sbr.rel $0x88, $3  }
0x1: {  	(tag) =	ssettag $0x0;
	lr =	simm.s32 $0x1  }
0x2: {  	[smem:$0x3F9D] =	sst lr;
	_ =	strace $0xD0000000  }
0x3: {  	_ = 	snop  }
0x4: {  	_ = 	snop  }
0x5: {  	_ = 	snop  }
0x6: {  	_ = 	snop  }
0x7: {  	_ = 	snop  }
__scs_overlays_trampoline_lowered:
0x8: {  	[smem:$0x3FAC] =	sst s0  }
0x9: {  	[smem:$0x3FAD] =	sst s1  }
0xa: {  	[smem:$0x3FAE] =	sst s2  }
0xb: {  	[smem:$0x3FAF] =	sst s3  }
0xc: {  	[smem:$0x3FB0] =	sst s4  }
0xd: {  	[smem:$0x3FB1] =	sst s5  }
0xe: {  	[smem:$0x3FB2] =	sst s6  }
0xf: {  	[smem:$0x3FB3] =	sst s7  }
0x10: {  	[smem:$0x3FB4] =	sst s8  }
0x11: {  	[smem:$0x3FB5] =	sst s9;
	s0 =	simm.s32 @!p0 $0x0  }
0x12: {  	s1 =	sld [smem:$0x3F9B];
	s0 =	simm.s32 @p0 $0x1  }
0x13: {  	[smem:$0x3FB6] =	sst s0;
	s0 =	simm.s32 @!p1 $0x0  }
0x14: {  	s2 =	sld [smem:$0x3F9A];
	s0 =	simm.s32 @p1 $0x1  }
0x15: {  	[smem:$0x3FB7] =	sst s0;
	s0 =	simm.s32 @!p2 $0x0  }
0x16: {  	s3 =	sld [smem:$0x3FDB];
	s0 =	simm.s32 @p2 $0x1  }
0x17: {  	s4 =	simm.s32 $0x1BF5;
	[smem:$0x3FB9] =	sst s0  }
0x18: {  	s0 =	sld [smem:$0x3F9C];
	_ =	swait.ge [sflag:s4], $0x0  }
0x19: {  	s7 =	sld [smem:$0x3F9D]  }
0x1a: {  	s8 =	sadd.s32 $0xFFFFE003, lr  }
0x1b: {  	s9 =	sadd.s32 $0xFFFFFEF7, lr;
	s5 =	simm.s32 $0xFFFFFFFF;
	p2 =	slt.u32 s8, $0xFFFFF086  }
0x1c: {  	p1 =	slt.u32 s9, $0xF7A;
	s5 =	simm.s32 @!p2 $0x0  }
0x1d: {  	s5 =	simm.s32 @p1 $0x1;
	p0 =	seq.s32 s7, s2  }
0x1e: {  	s7 =	smul.u32 @!p0 $0xF7A, s2;
	p2 =	seq.s32 @!p0 s5, $0x0  }
0x1f: {  	s9 =	smul.u32 $0xF7A, s1;
	s8 =	simm.s32 @!p0 $0x1BF5;
	p2 =	por !p2, p0  }
0x20: {  	[sflag:s8] =	ssyncset.s32 @!p0 $0xFFFFF086;
	s6 =	sadd.s32 @!p0 s3, s7;
	s7 =	simm.s32 @!p0 $0x108  }
0x21: {  	s3 =	sadd.s32 s3, s9;
	s6 =	sadd.s32 @!p0 $0x88, s6;
	s7 =	simm.s32 @p2 $0x1082  }
0x22: {  	[simem:s7], [sflag:s8] =	dma.local @!p0 [hbm:s6], $0xF7A  }
0x23: {  	s9 =	sor.u32 $0xD0000000, s2;
	s6 =	simm.s32 $0x108;
	_ =	swait.ge @!p0 [sflag:s8], $0x0  }
0x24: {  	s3 =	sadd.s32 $0x88, s3;
	s6 =	simm.s32 @!p1 $0x1082;
	[sflag:s4] =	ssyncset.s32 $0xFFFFF086  }
0x25: {  	[simem:s6], [sflag:s4] =	dma.local [hbm:s3], $0xF7A  }
0x26: {  	[smem:$0x3F9D] =	sst s1;
	(tag) =	ssettag s2;
	_ =	strace s9  }
0x27: {  	s1 =	sld [smem:$0x3FAD]  }
0x28: {  	s2 =	sld [smem:$0x3FAE]  }
0x29: {  	s4 =	sld [smem:$0x3FB0]  }
0x2a: {  	p0 =	seq.s32 s5, $0x0;
	s5 =	sld [smem:$0x3FB1]  }
0x2b: {  	s6 =	sld [smem:$0x3FB2]  }
0x2c: {  	s7 =	sld [smem:$0x3FB3]  }
0x2d: {  	s3 =	simm.s32 $0x108;
	s8 =	sld [smem:$0x3FB4]  }
0x2e: {  	s3 =	simm.s32 @!p0 $0x1082;
	s9 =	sld [smem:$0x3FB5]  }
0x2f: {  	lr =	sadd.s32 s0, s3;
	s0 =	sld [smem:$0x3FAC]  }
0x30: {  	s3 =	sld [smem:$0x3FAF]  }
0x31: {  	[smem:$0x3FB8] =	sst s10  }
0x32: {  	s10 =	sld [smem:$0x3FB6];
	_ =	sdelay $0x3  }
0x33: {  	p0 =	seq.s32 s10, $0x1;
	s10 =	sld [smem:$0x3FB8];
	_ =	sdelay $0x3  }
0x34: {  	[smem:$0x3FB8] =	sst s10  }
0x35: {  	s10 =	sld [smem:$0x3FB7];
	_ =	sdelay $0x3  }
0x36: {  	p1 =	seq.s32 s10, $0x1;
	s10 =	sld [smem:$0x3FB8];
	_ =	sdelay $0x3  }
0x37: {  	[smem:$0x3FB8] =	sst s10  }
0x38: {  	s10 =	sld [smem:$0x3FB9]  }
0x39: {  	_ = 	snop;
	(pc) =	sbr.ind lr, $3  }
0x3a: {  	_ = 	snop  }
0x3b: {  	_ = 	snop  }
0x3c: {  	p2 =	seq.s32 s10, $0x1;
	s10 =	sld [smem:$0x3FB8]  }
0x3d: {  	_ =	shalt  }
0x3e: {  	_ =	shalt  }
0x3f: {  	_ =	shalt  }
0x40: {  	_ =	shalt  }
0x41: {  	_ =	shalt  }
0x42: {  	_ =	shalt  }
0x43: {  	_ =	shalt  }
0x44: {  	_ =	shalt  }
0x45: {  	_ =	shalt  }
0x46: {  	_ =	shalt  }
0x47: {  	_ =	shalt  }
0x48: {  	_ =	shalt  }
0x49: {  	_ =	shalt  }
0x4a: {  	_ =	shalt  }
0x4b: {  	_ =	shalt  }
0x4c: {  	_ =	shalt  }
0x4d: {  	_ =	shalt  }
0x4e: {  	_ =	shalt  }
0x4f: {  	_ =	shalt  }
0x50: {  	_ =	shalt  }
0x51: {  	_ =	shalt  }
0x52: {  	_ =	shalt  }
0x53: {  	_ =	shalt  }
0x54: {  	_ =	shalt  }
0x55: {  	_ =	shalt  }
0x56: {  	_ =	shalt  }
0x57: {  	_ =	shalt  }
0x58: {  	_ =	shalt  }
0x59: {  	_ =	shalt  }
0x5a: {  	_ =	shalt  }
0x5b: {  	_ =	shalt  }
0x5c: {  	_ =	shalt  }
0x5d: {  	_ =	shalt  }
0x5e: {  	_ =	shalt  }
0x5f: {  	_ =	shalt  }
0x60: {  	_ =	shalt  }
0x61: {  	_ =	shalt  }
0x62: {  	_ =	shalt  }
0x63: {  	_ =	shalt  }
0x64: {  	_ =	shalt  }
0x65: {  	_ =	shalt  }
0x66: {  	_ =	shalt  }
0x67: {  	_ =	shalt  }
0x68: {  	_ =	shalt  }
0x69: {  	_ =	shalt  }
0x6a: {  	_ =	shalt  }
0x6b: {  	_ =	shalt  }
0x6c: {  	_ =	shalt  }
0x6d: {  	_ =	shalt  }
0x6e: {  	_ =	shalt  }
0x6f: {  	_ =	shalt  }
0x70: {  	_ =	shalt  }
0x71: {  	_ =	shalt  }
0x72: {  	_ =	shalt  }
0x73: {  	_ =	shalt  }
0x74: {  	_ =	shalt  }
0x75: {  	_ =	shalt  }
0x76: {  	_ =	shalt  }
0x77: {  	_ =	shalt  }
0x78: {  	_ =	shalt  }
0x79: {  	_ =	shalt  }
0x7a: {  	_ =	shalt  }
0x7b: {  	_ =	shalt  }
0x7c: {  	_ =	shalt  }
0x7d: {  	_ =	shalt  }
0x7e: {  	_ =	shalt  }
0x7f: {  	_ =	shalt  }
0x80: {  	_ =	shalt  }
0x81: {  	_ =	shalt  }
0x82: {  	_ =	shalt  }
0x83: {  	_ =	shalt  }
0x84: {  	_ =	shalt  }
0x85: {  	_ =	shalt  }
0x86: {  	_ =	shalt  }
0x87: {  	_ =	shalt  }
.Lfunc_end0:
.L_simem_size_0:
called_computation_lowered:
.L_overlay_start_0:
0x88: {  	s2 =	sld [smem:$0x3FD9]  }
0x89: {  	s3 =	sld [smem:$0x3FFE];
	_ =	sdelay $0x1  }
0x8a: {  	s1 =	srdreg.scid  }
0x8b: {  	s0 =	sand.u32 $0x1, s1  }
0x8c: {  	s14 =	sshll.u32 s0, $0xA;
	s2 =	sadd.s32 s3, s2  }
0x8d: {  	s2 =	sadd.s32 s2, s14  }
0x8e: {  	[smem:$0x3FC4] =	sst s2  }
0x8f: {  	_ = 	snop  }
0x90: {  	s2 =	sld [smem:$0x3FD0];
	_ =	sdelay $0x2  }
0x91: {  	s4 =	simm.s32 $0xA;
	s5 =	simm.s32 $0x10;
	s15 =	sld [smem:$0x3FC9]  }
0x92: {  	[smem:s5], [sflag:s4] =	dma.local [hbm:s2], $0x1  }
0x93: {  	_ =	swait.eq [sflag:s4], $0x1  }
0x94: {  	[sflag:s4] =	ssyncset.done $0x0  }
0x95: {  	[sflag:s4] =	ssyncadd.s32 $0xFFFFFFFF  }
0x96: {  	s16 =	sld [smem:$0x10];
	(tm) =	ssettm $0x1  }
0x97: {  	s17 =	sld [smem:$0x3FFB];
	_ =	sdelay $0x3  }
0x98: {  	_ =	strace s17  }
0x99: {  	s4 =	sld [smem:$0x3FFC];
	_ =	sdelay $0x3  }
0x9a: {  	_ =	strace s4  }
0x9b: {  	s4 =	sld [smem:$0x3FFD];
	_ =	sdelay $0x3  }
0x9c: {  	_ =	strace s4  }
0x9d: {  	_ =	strace $0x8FFFFFFF  }
0x9e: {  	s18 =	sld [smem:$0x3FDB];
	_ =	sdelay $0x1  }
0x9f: {  	s19 =	simm.s32 $_scs_section_size  }
0xa0: {  	s6 =	simm.s32 $_size__tile_overlayer_lowered;
	s7 =	simm.s32 $_tile_overlayer_lowered  }
0xa1: {  	s22 =	simm.s32 $0x1BFF;
	s21 =	sshll.u32 s7, $0x1;
	s4 =	sadd.s32 s19, s18  }
0xa2: {  	s8 =	simm.s32 $0x0;
	s20 =	sshll.u32 s6, $0x1;
	s6 =	sadd.s32 s21, s4  }
0xa3: {  	[timem:s8], [sflag:s22] =	dma.local [hbm:s6], s20  }
0xa4: {  	_ =	swait.ge [sflag:s22], s20  }
0xa5: {  	s5 =	ssub.s32 $0x0, s20;
	[sflag:s22] =	ssyncset.done $0x0  }
0xa6: {  	[sflag:s22] =	ssyncadd.s32 s5;
	_ =	sdelay $0x1  }
0xa7: {  	s23 =	simm.s32 $0x1B8B  }
0xa8: {  	_ =	swait.ge [sflag:s23], $0x1  }
0xa9: {  	[sflag:s23] =	ssyncset.done $0x0  }
0xaa: {  	s25 =	simm.s32 $0x1B8E;
	s24 =	sld [smem:$0x3FFE];
	[sflag:s23] =	ssyncadd.s32 $0xFFFFFFFF  }
0xab: {  	s26 =	simm.s32 $execute0_lowered;
	[smem:$0x3FD2] =	sst s25  }
0xac: {  	s6 =	sshll.u32 s26, $0x1;
	_ =	strace $0x80000046;
	[dreg:$0x1] =	wrdreg $0xFFFFFFFF  }
0xad: {  	s28 =	simm.s32 $_size_execute0_lowered;
	s4 =	sadd.s32 s4, s6;
	[dreg:$0x0] =	wrdreg $0x0  }
0xae: {  	s6 =	sshll.u32 s28, $0x1;
	[dreg:$0x2] =	wrdreg s4  }
0xaf: {  	[dreg:$0x3] =	wrdreg s6  }
0xb0: {  	[dreg:$0x4] =	wrdreg $0xC0  }
0xb1: {  	_ =	task [dreg:s8], $0x5FFFF  }
0xb2: {  	[dreg:$0x1] =	wrdreg $0xFFFFFFFF  }
0xb3: {  	[dreg:$0x0] =	wrdreg $0x60  }
0xb4: {  	[dreg:$0x2] =	wrdreg s15  }
0xb5: {  	[dreg:$0x3] =	wrdreg s16  }
0xb6: {  	[dreg:$0x4] =	wrdreg s24  }
0xb7: {  	[dreg:$0x5] =	wrdreg $0x9  }
0xb8: {  	_ =	task.clear_ibuf [dreg:s8], $0x6FFFF;
	_ =	strace $0x90000046  }
0xb9: {  	s29 =	simm.s32 $0x9;
	_ =	strace $0x80000048  }
0xba: {  	_ =	swait.ge [sflag:s29], $0x1  }
0xbb: {  	[sflag:s29] =	ssyncadd.s32 $0xFFFFFFFF  }
0xbc: {  	_ =	strace $0x90000048  }
0xbd: {  	_ =	sfence  }
0xbe: {  	s30 =	sld [smem:$0x0];
	_ =	sdelay $0x2  }
0xbf: {  	s31 =	sshll.u32 s1, $0xD;
	s1 =	sshrl.u32 s1, $0x2  }
0xc0: {  	s3 =	sand.u32 $0x4000, s31;
	s1 =	sadd.s32 s1, s30  }
0xc1: {  	s0 =	sor.u32 s3, s0;
	s1 =	sshll.u32 s1, $0x11  }
0xc2: {  	s0 =	sor.u32 s1, s0  }
0xc3: {  	s0 =	sadd.s32 $0x8F2B, s0  }
0xc4: {  	[sflag:s0] =	ssyncadd.remote.s32 $0x1  }
0xc5: {  	_ =	sfence.sel $0xFFFF  }
0xc6: {  	[dreg:$0x0] =	wrdreg $0xFFFFFFFF;
	(pc) =	sbr.abs _section_cstart, $3  }
0xc7: {  	[dreg:$0x1] =	wrdreg $0xFFFFFFFF  }
0xc8: {  	_ =	task.clear_ibuf [dreg:s8], $0x2FFFF;
	_ =	strace $0x9FFFFFFF  }
0xc9: {  	(tm) =	ssettm $0x7FFFFFFF  }
tec
execute0_lowered:
.L_overlay_start_1:
0x0: {  	(tag) =	ssettag $0x1  }
0x1: {  	s3 =	rddreg [dreg:$0x0]  }
0x2: {  	s1 =	srdreg.scid;
	s7 =	rddreg [dreg:$0x1]  }
0x3: {  	s0 =	stileid.u32;
	s5 =	rddreg [dreg:$0x2];
	s2 =	simm.s32 $0x0  }
0x4: {  	s13 =	simm.s32 $0x2;
	s14 =	simm.s32 $0x16800;
	s15 =	simm.s32 $0x3  }
0x5: {  	s16 =	simm.s32 $0x16880;
	s4 =	sand.u32 $0x1, s1;
	s1 =	rddreg [dreg:$0x3]  }
0x6: {  	s17 =	simm.s32 $0x0;
	s28 =	sshll.u32 s0, $0x1;
	[smem:$0x7FF] =	sst s2  }
0x7: {  	s11 =	smul.u32 $0xAF0, s0;
	s6 =	sor.u32 s4, s28;
	_ =	strace $0x80000047  }
0x8: {  	s31 =	ssub.s32 $0x2, s4;
	s8 =	smul.u32 $0x578, s6;
	s9 =	sshll.u32 s6, $0x4  }
0x9: {  	s12 =	smul.u32 $0x578, s4;
	s10 =	sshrl.u32 s31, $0x1;
	s30 =	sadd.s32 s9, s5  }
0xa: {  	s10 =	ssub.s32 s31, s10;
	s7 =	sadd.s32 s7, s9;
	s29 =	smin.u32 s8, $0xA928  }
0xb: {  	s11 =	sadd.s32 s12, s11;
	s12 =	simm.s32 $0x1;
	s6 =	sshll.u32 s29, $0x4  }
0xc: {  	s8 =	sadd.s32 $0x1400, s30;
	s9 =	smax.u32 s10, $0x1;
	s6 =	sadd.s32 s3, s6  }
0xd: {  	s10 =	smin.u32 s11, $0xA928;
	s11 =	simm.s32 $0xB400;
	s3 =	sadd.s32 $0xD8000, s6  }
0xe: {  	s4 =	sadd.s32 $0xD9680, s6;
	s5 =	sadd.s32 $0xDAD00, s6;
	s6 =	sadd.s32 $0xDC380, s6  }
.LBB2_1:
0xf: {  	[tilespmem:s2], [sflag:$0x1] =	stream.linear.gather [hbm4b:s3+s2], $0xB400, $0x38;
	[tilespmem:$0x16900] =	vst v63  }
0x10: {  	_ = 	snop  }
0x11: {  	[tilespmem:s11], [sflag:$0x2] =	stream.linear.gather [hbm4b:s4+s2], $0xB400, $0x38;
	[tilespmem:$0x16900] =	vst v63  }
0x12: {  	_ =	swait.ge [sflag:s12], $0xB400  }
0x13: {  	[sflag:s12] =	ssyncset.done $0x0  }
0x14: {  	s21 =	simm.s32 $0x80;
	[sflag:s12] =	ssyncadd.s32 $0xFFFF4C00  }
0x15: {  	v5 =	vld [tilespmem:s21+$0x0]  }
0x16: {  	v0 =	vld [tilespmem:s21+$0xFFFFFF80]  }
0x17: {  	v8 =	vld [tilespmem:s21+$0xFFFFFF90]  }
0x18: {  	v13 =	vld [tilespmem:s21+$0xFFFFFFB0]  }
0x19: {  	v15 =	vld [tilespmem:s21+$0xFFFFFFC0]  }
0x1a: {  	v6 =	vld [tilespmem:s21+$0x10]  }
0x1b: {  	v2 =	vld [tilespmem:s21+$0x20]  }
0x1c: {  	v3 =	vimm.f32 $-Inf;
	v1 =	vimm.s32 $0x0;
	v11 =	vld [tilespmem:s21+$0xFFFFFFA0]  }
0x1d: {  	s19 =	sadd.s32 $0xFFFFFFFE, s10;
	v17 =	vimm.s32 $0x0;
	v4 =	vld [tilespmem:s21+$0x30];
	vm1 =	vgt.f32 v0, v3;
	vm0 =	vgt.f32 v8, v3  }
0x1e: {  	s18 =	sadd.s32 $0xD802, s19;
	v7 =	vld [tilespmem:s21+$0x40];
	vm2 =	vgt.f32 v13, v3;
	vm3 =	vgt.f32 v15, v3;
	v9 =	vsel vm1, v0, v3  }
0x1f: {  	v12 =	vld [tilespmem:s21+$0x50];
	v10 =	vsel vm0, v8, v3;
	v16 =	vsel vm0, s18, v1;
	v0 =	vsel vm1, s18, v1  }
0x20: {  	v14 =	vld [tilespmem:s21+$0xFFFFFFD0];
	v23 =	vsel vm2, v13, v3;
	v24 =	vsel vm3, v15, v3;
	v13 =	vimm.f32 $-Inf  }
0x21: {  	s19 =	sadd.s32 $0xD803, s19;
	v18 =	vld [tilespmem:s21+$0xFFFFFFE0];
	v15 =	vimm.s32 $0x0;
	vm0 =	vgt.f32 v5, v9;
	vm1 =	vgt.f32 v6, v10  }
0x22: {  	v20 =	vld [tilespmem:s21+$0xFFFFFFF0];
	v8 =	vsel vm0, v5, v9;
	v9 =	vsel vm1, v6, v10;
	v10 =	vsel vm1, s19, v16  }
0x23: {  	v19 =	vld [tilespmem:s21+$0x60];
	vm1 =	vgt.f32 v11, v3;
	v16 =	vimm.s32 $0x0;
	v5 =	vimm.s32 $0x0  }
0x24: {  	s20 =	simm.s32 $0x0;
	v21 =	vld [tilespmem:s21+$0x70];
	s21 =	simm.s32 $0x180;
	v6 =	vimm.s32 $0x0;
	v22 =	vsel vm1, v11, v3;
	v11 =	vimm.f32 $-Inf  }
.LBB2_2:
0x25: {  	v25 =	vld [tilespmem:s21+$0x0];
	vm4 =	vgt.f32 v2, v22;
	vm5 =	vgt.f32 v4, v23;
	vm6 =	vgt.f32 v7, v24  }
0x26: {  	v26 =	vld [tilespmem:s21+$0x10];
	v22 =	vsel vm4, v2, v22;
	v23 =	vsel vm5, v4, v23;
	v24 =	vsel vm6, v7, v24  }
0x27: {  	vm7 =	vgt.f32 v14, v3;
	vm8 =	vgt.f32 v18, v11;
	v2 =	vld [tilespmem:s21+$0x20];
	vm9 =	vgt.f32 v20, v13  }
0x28: {  	v3 =	vsel vm7, v14, v3;
	v7 =	vsel vm8, v18, v11;
	v4 =	vld [tilespmem:s21+$0x30];
	v13 =	vsel vm9, v20, v13  }
0x29: {  	vm10 =	vgt.f32 v12, v3;
	vm11 =	vgt.f32 v19, v7;
	v14 =	vld [tilespmem:s21+$0xFFFFFF80];
	vm12 =	vgt.f32 v21, v13  }
0x2a: {  	v3 =	vsel vm10, v12, v3;
	v11 =	vsel vm11, v19, v7;
	v18 =	vld [tilespmem:s21+$0xFFFFFF90];
	v13 =	vsel vm12, v21, v13  }
0x2b: {  	v1 =	vsel vm7, s18, v1;
	v12 =	vsel vm8, s18, v16;
	v17 =	vsel vm9, s18, v17;
	v7 =	vld [tilespmem:s21+$0x40]  }
0x2c: {  	v1 =	vsel vm10, s19, v1;
	v16 =	vsel vm11, s19, v12;
	v17 =	vsel vm12, s19, v17;
	v21 =	vld [tilespmem:s21+$0xFFFFFFA0]  }
0x2d: {  	v5 =	vsel vm1, s18, v5;
	v6 =	vsel vm2, s18, v6;
	v12 =	vsel vm3, s18, v15;
	v27 =	vld [tilespmem:s21+$0xFFFFFFB0]  }
0x2e: {  	s22 =	sadd.s32 s20, s10;
	s20 =	sadd.s32 $0x2, s20;
	v5 =	vsel vm4, s19, v5;
	v6 =	vsel vm5, s19, v6;
	v15 =	vsel vm6, s19, v12;
	v28 =	vld [tilespmem:s21+$0xFFFFFFC0]  }
0x2f: {  	v0 =	vsel vm0, s19, v0;
	p0 =	slt.u32 s20, $0x166;
	s18 =	sadd.s32 $0xD802, s22;
	vm1 =	vgt.f32 v14, v8;
	vm2 =	vgt.f32 v18, v9;
	v12 =	vld [tilespmem:s21+$0x50]  }
.Ltmp0:
0x30: {  	v8 =	vsel vm1, v14, v8;
	v9 =	vsel vm2, v18, v9;
	v10 =	vsel vm2, s18, v10;
	v14 =	vld [tilespmem:s21+$0xFFFFFFD0];
	(pc) =	sbr.rel @p0 .LBB2_2-.Ltmp0, $4  }
0x31: {  	s19 =	sadd.s32 $0xD803, s22;
	v0 =	vsel vm1, s18, v0;
	vm0 =	vgt.f32 v25, v8;
	v18 =	vld [tilespmem:s21+$0xFFFFFFE0];
	vm1 =	vgt.f32 v26, v9  }
0x32: {  	v8 =	vsel vm0, v25, v8;
	v20 =	vld [tilespmem:s21+$0xFFFFFFF0];
	v9 =	vsel vm1, v26, v9;
	v10 =	vsel vm1, s19, v10  }
0x33: {  	vm1 =	vgt.f32 v21, v22;
	vm2 =	vgt.f32 v27, v23;
	vm3 =	vgt.f32 v28, v24;
	v19 =	vld [tilespmem:s21+$0x60]  }
0x34: {  	v22 =	vsel vm1, v21, v22;
	v23 =	vsel vm2, v27, v23;
	v24 =	vsel vm3, v28, v24;
	v21 =	vld [tilespmem:s21+$0x70];
	s21 =	sadd.s32 $0x100, s21  }
0x35: {  	[tilespmem:s2], [sflag:$0x1] =	stream.linear.gather [hbm4b:s5+s2], $0xB400, $0x38;
	[tilespmem:$0x16900] =	vst v63  }
0x36: {  	_ =	swait.ge [sflag:s13], $0xB400  }
0x37: {  	[sflag:s13] =	ssyncset.done $0x0  }
0x38: {  	s21 =	simm.s32 $0xB480;
	[sflag:s13] =	ssyncadd.s32 $0xFFFF4C00  }
0x39: {  	vm4 =	vgt.f32 v2, v22;
	vm5 =	vgt.f32 v4, v23;
	vm6 =	vgt.f32 v7, v24;
	v25 =	vld [tilespmem:s21+$0x0]  }
0x3a: {  	vm7 =	vgt.f32 v14, v3;
	v22 =	vsel vm4, v2, v22;
	vm8 =	vgt.f32 v18, v11;
	v26 =	vld [tilespmem:s21+$0x10]  }
0x3b: {  	v24 =	vsel vm6, v7, v24;
	v2 =	vsel vm7, v14, v3;
	v3 =	vsel vm8, v18, v11;
	v7 =	vld [tilespmem:s21+$0x20]  }
0x3c: {  	v23 =	vsel vm5, v4, v23;
	vm9 =	vgt.f32 v20, v13;
	vm11 =	vgt.f32 v19, v3;
	v18 =	vld [tilespmem:s21+$0xFFFFFF80]  }
0x3d: {  	vm10 =	vgt.f32 v12, v2;
	v4 =	vsel vm9, v20, v13;
	v13 =	vsel vm11, v19, v3;
	v19 =	vld [tilespmem:s21+$0xFFFFFF90]  }
0x3e: {  	v1 =	vsel vm7, s18, v1;
	v12 =	vsel vm10, v12, v2;
	v2 =	vsel vm8, s18, v16;
	v28 =	vld [tilespmem:s21+$0xFFFFFFB0]  }
0x3f: {  	v1 =	vsel vm10, s19, v1;
	vm12 =	vgt.f32 v21, v4;
	v3 =	vsel vm9, s18, v17;
	v29 =	vld [tilespmem:s21+$0xFFFFFFC0]  }
0x40: {  	v11 =	vld [tilespmem:s21+$0x30];
	v2 =	vsel vm11, s19, v2;
	v14 =	vsel vm12, v21, v4;
	v3 =	vsel vm12, s19, v3  }
0x41: {  	v17 =	vld [tilespmem:s21+$0x40];
	v4 =	vsel vm1, s18, v5;
	v5 =	vsel vm2, s18, v6;
	v6 =	vsel vm3, s18, v15  }
0x42: {  	v27 =	vld [tilespmem:s21+$0xFFFFFFA0];
	v15 =	vsel vm0, s19, v0;
	v4 =	vsel vm4, s19, v4;
	v5 =	vsel vm5, s19, v5  }
0x43: {  	s20 =	sadd.s32 $0xFFFFFFFE, s10;
	v20 =	vld [tilespmem:s21+$0xFFFFFFF0];
	v6 =	vsel vm6, s19, v6;
	vm0 =	vgt.f32 v18, v8;
	vm1 =	vgt.f32 v19, v9  }
0x44: {  	s18 =	sadd.s32 $0xD96A, s20;
	v0 =	vld [tilespmem:s21+$0x50];
	vm2 =	vgt.f32 v28, v23;
	vm3 =	vgt.f32 v29, v24;
	v8 =	vsel vm0, v18, v8  }
0x45: {  	v16 =	vsel vm1, v19, v9;
	v21 =	vsel vm1, s18, v10;
	v18 =	vld [tilespmem:s21+$0xFFFFFFD0];
	v9 =	vsel vm0, s18, v15  }
0x46: {  	s19 =	sadd.s32 $0xD96B, s20;
	v19 =	vld [tilespmem:s21+$0xFFFFFFE0];
	v23 =	vsel vm2, v28, v23;
	vm0 =	vgt.f32 v25, v8;
	vm1 =	vgt.f32 v26, v16  }
0x47: {  	v15 =	vsel vm1, v26, v16;
	v16 =	vsel vm1, s19, v21;
	vm1 =	vgt.f32 v27, v22;
	v21 =	vld [tilespmem:s21+$0x60]  }
0x48: {  	s20 =	simm.s32 $0x0;
	v24 =	vsel vm3, v29, v24;
	v10 =	vsel vm0, v25, v8;
	v8 =	vsel vm1, v27, v22;
	v22 =	vld [tilespmem:s21+$0x70];
	s21 =	simm.s32 $0xB580  }
.LBB2_4:
0x49: {  	v25 =	vld [tilespmem:s21+$0x0];
	vm4 =	vgt.f32 v7, v8;
	vm5 =	vgt.f32 v11, v23;
	vm6 =	vgt.f32 v17, v24  }
0x4a: {  	v26 =	vld [tilespmem:s21+$0x10];
	v8 =	vsel vm4, v7, v8;
	v23 =	vsel vm5, v11, v23;
	v24 =	vsel vm6, v17, v24  }
0x4b: {  	vm7 =	vgt.f32 v18, v12;
	vm8 =	vgt.f32 v19, v13;
	v7 =	vld [tilespmem:s21+$0x20];
	vm9 =	vgt.f32 v20, v14  }
0x4c: {  	v12 =	vsel vm7, v18, v12;
	v13 =	vsel vm8, v19, v13;
	v11 =	vld [tilespmem:s21+$0x30];
	v14 =	vsel vm9, v20, v14  }
0x4d: {  	vm10 =	vgt.f32 v0, v12;
	vm11 =	vgt.f32 v21, v13;
	v18 =	vld [tilespmem:s21+$0xFFFFFF80];
	vm12 =	vgt.f32 v22, v14  }
0x4e: {  	v12 =	vsel vm10, v0, v12;
	v13 =	vsel vm11, v21, v13;
	v19 =	vld [tilespmem:s21+$0xFFFFFF90];
	v14 =	vsel vm12, v22, v14  }
0x4f: {  	v2 =	vsel vm8, s18, v2;
	v0 =	vsel vm7, s18, v1;
	v3 =	vsel vm9, s18, v3;
	v17 =	vld [tilespmem:s21+$0x40]  }
0x50: {  	v1 =	vsel vm10, s19, v0;
	v2 =	vsel vm11, s19, v2;
	v3 =	vsel vm12, s19, v3;
	v22 =	vld [tilespmem:s21+$0xFFFFFFA0]  }
0x51: {  	v5 =	vsel vm2, s18, v5;
	v6 =	vsel vm3, s18, v6;
	v0 =	vsel vm1, s18, v4;
	v27 =	vld [tilespmem:s21+$0xFFFFFFB0]  }
0x52: {  	s22 =	sadd.s32 s20, s10;
	s20 =	sadd.s32 $0x2, s20;
	v5 =	vsel vm5, s19, v5;
	v6 =	vsel vm6, s19, v6;
	v4 =	vsel vm4, s19, v0;
	v28 =	vld [tilespmem:s21+$0xFFFFFFC0]  }
0x53: {  	v9 =	vsel vm0, s19, v9;
	p0 =	slt.u32 s20, $0x166;
	s18 =	sadd.s32 $0xD96A, s22;
	vm1 =	vgt.f32 v18, v10;
	vm2 =	vgt.f32 v19, v15;
	v0 =	vld [tilespmem:s21+$0x50]  }
.Ltmp1:
0x54: {  	v10 =	vsel vm1, v18, v10;
	v15 =	vsel vm2, v19, v15;
	v16 =	vsel vm2, s18, v16;
	v18 =	vld [tilespmem:s21+$0xFFFFFFD0];
	(pc) =	sbr.rel @p0 .LBB2_4-.Ltmp1, $4  }
0x55: {  	s19 =	sadd.s32 $0xD96B, s22;
	v9 =	vsel vm1, s18, v9;
	vm0 =	vgt.f32 v25, v10;
	v19 =	vld [tilespmem:s21+$0xFFFFFFE0];
	vm1 =	vgt.f32 v26, v15  }
0x56: {  	v10 =	vsel vm0, v25, v10;
	v20 =	vld [tilespmem:s21+$0xFFFFFFF0];
	v15 =	vsel vm1, v26, v15;
	v16 =	vsel vm1, s19, v16  }
0x57: {  	vm1 =	vgt.f32 v22, v8;
	vm2 =	vgt.f32 v27, v23;
	vm3 =	vgt.f32 v28, v24;
	v21 =	vld [tilespmem:s21+$0x60]  }
0x58: {  	v8 =	vsel vm1, v22, v8;
	v23 =	vsel vm2, v27, v23;
	v24 =	vsel vm3, v28, v24;
	v22 =	vld [tilespmem:s21+$0x70];
	s21 =	sadd.s32 $0x100, s21  }
0x59: {  	[tilespmem:s11], [sflag:$0x2] =	stream.linear.gather [hbm4b:s6+s2], $0xA000, $0x38;
	[tilespmem:$0x16900] =	vst v63  }
0x5a: {  	_ =	swait.ge [sflag:s12], $0xB400  }
0x5b: {  	[sflag:s12] =	ssyncset.done $0x0  }
0x5c: {  	s21 =	simm.s32 $0x80;
	[sflag:s12] =	ssyncadd.s32 $0xFFFF4C00  }
0x5d: {  	vm4 =	vgt.f32 v7, v8;
	vm5 =	vgt.f32 v11, v23;
	vm6 =	vgt.f32 v17, v24;
	v25 =	vld [tilespmem:s21+$0x0]  }
0x5e: {  	vm7 =	vgt.f32 v18, v12;
	v4 =	vsel vm1, s18, v4;
	v24 =	vsel vm6, v17, v24;
	v17 =	vld [tilespmem:s21+$0x10]  }
0x5f: {  	v26 =	vsel vm4, v7, v8;
	v23 =	vsel vm5, v11, v23;
	vm8 =	vgt.f32 v19, v13;
	v8 =	vld [tilespmem:s21+$0x20]  }
0x60: {  	v7 =	vsel vm7, v18, v12;
	vm9 =	vgt.f32 v20, v14;
	v13 =	vsel vm8, v19, v13;
	v18 =	vld [tilespmem:s21+$0xFFFFFF80]  }
0x61: {  	vm10 =	vgt.f32 v0, v7;
	v2 =	vsel vm8, s18, v2;
	v14 =	vsel vm9, v20, v14;
	v19 =	vld [tilespmem:s21+$0xFFFFFF90]  }
0x62: {  	vm11 =	vgt.f32 v21, v13;
	v12 =	vsel vm10, v0, v7;
	v0 =	vsel vm7, s18, v1;
	v27 =	vld [tilespmem:s21+$0xFFFFFFB0]  }
0x63: {  	v3 =	vsel vm9, s18, v3;
	v7 =	vsel vm2, s18, v5;
	v20 =	vsel vm3, s18, v6;
	v28 =	vld [tilespmem:s21+$0xFFFFFFC0]  }
0x64: {  	v5 =	vsel vm4, s19, v4;
	v11 =	vld [tilespmem:s21+$0x30];
	vm12 =	vgt.f32 v22, v14;
	v13 =	vsel vm11, v21, v13  }
0x65: {  	v1 =	vld [tilespmem:s21+$0x40];
	v0 =	vsel vm10, s19, v0;
	v2 =	vsel vm11, s19, v2;
	v6 =	vsel vm5, s19, v7  }
0x66: {  	v21 =	vld [tilespmem:s21+$0xFFFFFFA0];
	v7 =	vsel vm6, s19, v20;
	v20 =	vsel vm0, s19, v9;
	v14 =	vsel vm12, v22, v14  }
0x67: {  	s20 =	sadd.s32 $0xFFFFFFFE, s10;
	v4 =	vld [tilespmem:s21+$0x50];
	v3 =	vsel vm12, s19, v3;
	vm0 =	vgt.f32 v18, v10;
	vm1 =	vgt.f32 v19, v15  }
0x68: {  	s18 =	sadd.s32 $0xDAD2, s20;
	v9 =	vld [tilespmem:s21+$0xFFFFFFD0];
	vm2 =	vgt.f32 v27, v23;
	vm3 =	vgt.f32 v28, v24;
	v22 =	vsel vm0, v18, v10  }
0x69: {  	v29 =	vsel vm1, v19, v15;
	v30 =	vsel vm1, s18, v16;
	v10 =	vsel vm0, s18, v20;
	v18 =	vld [tilespmem:s21+$0xFFFFFFE0]  }
0x6a: {  	s19 =	sadd.s32 $0xDAD3, s20;
	v19 =	vld [tilespmem:s21+$0xFFFFFFF0];
	v23 =	vsel vm2, v27, v23;
	vm0 =	vgt.f32 v25, v22;
	vm1 =	vgt.f32 v17, v29  }
0x6b: {  	v20 =	vld [tilespmem:s21+$0x60];
	v16 =	vsel vm1, v17, v29;
	v17 =	vsel vm1, s19, v30;
	vm1 =	vgt.f32 v21, v26  }
0x6c: {  	s20 =	simm.s32 $0x0;
	v24 =	vsel vm3, v28, v24;
	v15 =	vsel vm0, v25, v22;
	v22 =	vsel vm1, v21, v26;
	v21 =	vld [tilespmem:s21+$0x70];
	s21 =	simm.s32 $0x180  }
.LBB2_6:
0x6d: {  	v25 =	vld [tilespmem:s21+$0x0];
	vm4 =	vgt.f32 v8, v22;
	vm5 =	vgt.f32 v11, v23;
	vm6 =	vgt.f32 v1, v24  }
0x6e: {  	v26 =	vld [tilespmem:s21+$0x10];
	v22 =	vsel vm4, v8, v22;
	v23 =	vsel vm5, v11, v23;
	v24 =	vsel vm6, v1, v24  }
0x6f: {  	vm7 =	vgt.f32 v9, v12;
	vm8 =	vgt.f32 v18, v13;
	v8 =	vld [tilespmem:s21+$0x20];
	vm9 =	vgt.f32 v19, v14  }
0x70: {  	v1 =	vsel vm7, v9, v12;
	v9 =	vsel vm8, v18, v13;
	v11 =	vld [tilespmem:s21+$0x30];
	v14 =	vsel vm9, v19, v14  }
0x71: {  	vm10 =	vgt.f32 v4, v1;
	vm11 =	vgt.f32 v20, v9;
	v18 =	vld [tilespmem:s21+$0xFFFFFF80];
	vm12 =	vgt.f32 v21, v14  }
0x72: {  	v12 =	vsel vm10, v4, v1;
	v13 =	vsel vm11, v20, v9;
	v19 =	vld [tilespmem:s21+$0xFFFFFF90];
	v14 =	vsel vm12, v21, v14  }
0x73: {  	v0 =	vsel vm7, s18, v0;
	v2 =	vsel vm8, s18, v2;
	v3 =	vsel vm9, s18, v3;
	v1 =	vld [tilespmem:s21+$0x40]  }
0x74: {  	v0 =	vsel vm10, s19, v0;
	v2 =	vsel vm11, s19, v2;
	v3 =	vsel vm12, s19, v3;
	v21 =	vld [tilespmem:s21+$0xFFFFFFA0]  }
0x75: {  	v6 =	vsel vm2, s18, v6;
	v7 =	vsel vm3, s18, v7;
	v4 =	vsel vm1, s18, v5;
	v27 =	vld [tilespmem:s21+$0xFFFFFFB0]  }
0x76: {  	s22 =	sadd.s32 s20, s10;
	s20 =	sadd.s32 $0x2, s20;
	v6 =	vsel vm5, s19, v6;
	v7 =	vsel vm6, s19, v7;
	v5 =	vsel vm4, s19, v4;
	v28 =	vld [tilespmem:s21+$0xFFFFFFC0]  }
0x77: {  	v10 =	vsel vm0, s19, v10;
	p0 =	slt.u32 s20, $0x166;
	s18 =	sadd.s32 $0xDAD2, s22;
	vm1 =	vgt.f32 v18, v15;
	vm2 =	vgt.f32 v19, v16;
	v4 =	vld [tilespmem:s21+$0x50]  }
.Ltmp2:
0x78: {  	v15 =	vsel vm1, v18, v15;
	v16 =	vsel vm2, v19, v16;
	v17 =	vsel vm2, s18, v17;
	v9 =	vld [tilespmem:s21+$0xFFFFFFD0];
	(pc) =	sbr.rel @p0 .LBB2_6-.Ltmp2, $4  }
0x79: {  	s19 =	sadd.s32 $0xDAD3, s22;
	v10 =	vsel vm1, s18, v10;
	vm0 =	vgt.f32 v25, v15;
	v18 =	vld [tilespmem:s21+$0xFFFFFFE0];
	vm1 =	vgt.f32 v26, v16  }
0x7a: {  	v15 =	vsel vm0, v25, v15;
	v19 =	vld [tilespmem:s21+$0xFFFFFFF0];
	v16 =	vsel vm1, v26, v16;
	v17 =	vsel vm1, s19, v17  }
0x7b: {  	vm1 =	vgt.f32 v21, v22;
	vm2 =	vgt.f32 v27, v23;
	vm3 =	vgt.f32 v28, v24;
	v20 =	vld [tilespmem:s21+$0x60]  }
0x7c: {  	v22 =	vsel vm1, v21, v22;
	v23 =	vsel vm2, v27, v23;
	v24 =	vsel vm3, v28, v24;
	v21 =	vld [tilespmem:s21+$0x70];
	s21 =	sadd.s32 $0x100, s21  }
0x7d: {  	_ =	swait.ge [sflag:s13], $0xA000  }
0x7e: {  	[sflag:s13] =	ssyncset.done $0x0  }
0x7f: {  	s21 =	simm.s32 $0xB480;
	[sflag:s13] =	ssyncadd.s32 $0xFFFF6000  }
0x80: {  	vm4 =	vgt.f32 v8, v22;
	vm5 =	vgt.f32 v11, v23;
	vm6 =	vgt.f32 v1, v24;
	v25 =	vld [tilespmem:s21+$0x0]  }
0x81: {  	vm7 =	vgt.f32 v9, v12;
	v22 =	vsel vm4, v8, v22;
	v26 =	vsel vm6, v1, v24;
	v24 =	vld [tilespmem:s21+$0x10]  }
0x82: {  	v23 =	vsel vm5, v11, v23;
	vm8 =	vgt.f32 v18, v13;
	vm9 =	vgt.f32 v19, v14;
	v8 =	vld [tilespmem:s21+$0x20]  }
0x83: {  	v1 =	vsel vm7, v9, v12;
	v12 =	vsel vm8, v18, v13;
	v13 =	vsel vm9, v19, v14;
	v11 =	vld [tilespmem:s21+$0x30]  }
0x84: {  	v5 =	vsel vm1, s18, v5;
	vm10 =	vgt.f32 v4, v1;
	v14 =	vld [tilespmem:s21+$0xFFFFFF80];
	vm12 =	vgt.f32 v21, v13  }
0x85: {  	v6 =	vsel vm2, s18, v6;
	v9 =	vsel vm10, v4, v1;
	v1 =	vsel vm12, v21, v13;
	v13 =	vld [tilespmem:s21+$0xFFFFFF90]  }
0x86: {  	v0 =	vsel vm7, s18, v0;
	v6 =	vsel vm5, s19, v6;
	v2 =	vsel vm8, s18, v2;
	v27 =	vld [tilespmem:s21+$0xFFFFFFB0]  }
0x87: {  	vm11 =	vgt.f32 v20, v12;
	v18 =	vsel vm9, s18, v3;
	v3 =	vsel vm10, s19, v0;
	v28 =	vld [tilespmem:s21+$0xFFFFFFC0]  }
0x88: {  	v4 =	vsel vm11, v20, v12;
	v0 =	vsel vm12, s19, v18;
	v21 =	vld [tilespmem:s21+$0xFFFFFFA0];
	v18 =	vsel vm3, s18, v7  }
0x89: {  	v19 =	vld [tilespmem:s21+$0xFFFFFFD0];
	v2 =	vsel vm11, s19, v2;
	v7 =	vsel vm4, s19, v5;
	v5 =	vsel vm6, s19, v18  }
0x8a: {  	s20 =	sadd.s32 $0xFFFFFFFE, s10;
	v12 =	vld [tilespmem:s21+$0x40];
	v18 =	vsel vm0, s19, v10;
	vm0 =	vgt.f32 v14, v15;
	vm1 =	vgt.f32 v13, v16  }
0x8b: {  	s18 =	sadd.s32 $0xDC3A, s20;
	v10 =	vld [tilespmem:s21+$0x50];
	vm2 =	vgt.f32 v27, v23;
	v14 =	vsel vm0, v14, v15;
	v15 =	vsel vm1, v13, v16  }
0x8c: {  	v20 =	vsel vm1, s18, v17;
	v13 =	vsel vm0, s18, v18;
	v17 =	vld [tilespmem:s21+$0xFFFFFFE0];
	vm0 =	vgt.f32 v25, v14  }
0x8d: {  	s19 =	sadd.s32 $0xDC3B, s20;
	vm3 =	vgt.f32 v21, v22;
	v18 =	vld [tilespmem:s21+$0xFFFFFFF0];
	vm1 =	vgt.f32 v24, v15;
	v16 =	vsel vm0, v25, v14  }
0x8e: {  	v15 =	vsel vm1, v24, v15;
	v14 =	vsel vm1, s19, v20;
	vm1 =	vgt.f32 v28, v26;
	v20 =	vld [tilespmem:s21+$0x60]  }
0x8f: {  	s20 =	simm.s32 $0x0;
	v23 =	vsel vm2, v27, v23;
	v24 =	vsel vm3, v21, v22;
	v21 =	vld [tilespmem:s21+$0x70];
	s21 =	simm.s32 $0xB580;
	v22 =	vsel vm1, v28, v26  }
.LBB2_8:
0x90: {  	v25 =	vld [tilespmem:s21+$0x0];
	vm4 =	vgt.f32 v8, v24;
	vm5 =	vgt.f32 v11, v23;
	vm6 =	vgt.f32 v12, v22  }
0x91: {  	v26 =	vld [tilespmem:s21+$0x10];
	v24 =	vsel vm4, v8, v24;
	v23 =	vsel vm5, v11, v23;
	v22 =	vsel vm6, v12, v22  }
0x92: {  	vm7 =	vgt.f32 v19, v9;
	vm8 =	vgt.f32 v17, v4;
	v8 =	vld [tilespmem:s21+$0x20];
	vm9 =	vgt.f32 v18, v1  }
0x93: {  	v9 =	vsel vm7, v19, v9;
	v4 =	vsel vm8, v17, v4;
	v11 =	vld [tilespmem:s21+$0x30];
	v1 =	vsel vm9, v18, v1  }
0x94: {  	vm10 =	vgt.f32 v10, v9;
	vm11 =	vgt.f32 v20, v4;
	v17 =	vld [tilespmem:s21+$0xFFFFFF80];
	vm12 =	vgt.f32 v21, v1  }
0x95: {  	v9 =	vsel vm10, v10, v9;
	v4 =	vsel vm11, v20, v4;
	v18 =	vld [tilespmem:s21+$0xFFFFFF90];
	v1 =	vsel vm12, v21, v1  }
0x96: {  	v3 =	vsel vm7, s18, v3;
	v2 =	vsel vm8, s18, v2;
	v0 =	vsel vm9, s18, v0;
	v12 =	vld [tilespmem:s21+$0x40]  }
0x97: {  	v3 =	vsel vm10, s19, v3;
	v2 =	vsel vm11, s19, v2;
	v0 =	vsel vm12, s19, v0;
	v21 =	vld [tilespmem:s21+$0xFFFFFFA0]  }
0x98: {  	v7 =	vsel vm3, s18, v7;
	v6 =	vsel vm2, s18, v6;
	v5 =	vsel vm1, s18, v5;
	v27 =	vld [tilespmem:s21+$0xFFFFFFB0]  }
0x99: {  	s22 =	sadd.s32 s20, s10;
	s20 =	sadd.s32 $0x2, s20;
	v7 =	vsel vm4, s19, v7;
	v6 =	vsel vm5, s19, v6;
	v5 =	vsel vm6, s19, v5;
	v28 =	vld [tilespmem:s21+$0xFFFFFFC0]  }
0x9a: {  	v13 =	vsel vm0, s19, v13;
	p0 =	slt.u32 s20, $0x13E;
	s18 =	sadd.s32 $0xDC3A, s22;
	vm1 =	vgt.f32 v17, v16;
	vm2 =	vgt.f32 v18, v15;
	v10 =	vld [tilespmem:s21+$0x50]  }
.Ltmp3:
0x9b: {  	v16 =	vsel vm1, v17, v16;
	v15 =	vsel vm2, v18, v15;
	v14 =	vsel vm2, s18, v14;
	v19 =	vld [tilespmem:s21+$0xFFFFFFD0];
	(pc) =	sbr.rel @p0 .LBB2_8-.Ltmp3, $4  }
0x9c: {  	s19 =	sadd.s32 $0xDC3B, s22;
	v13 =	vsel vm1, s18, v13;
	vm0 =	vgt.f32 v25, v16;
	v17 =	vld [tilespmem:s21+$0xFFFFFFE0];
	vm1 =	vgt.f32 v26, v15  }
0x9d: {  	v16 =	vsel vm0, v25, v16;
	v18 =	vld [tilespmem:s21+$0xFFFFFFF0];
	v15 =	vsel vm1, v26, v15;
	v14 =	vsel vm1, s19, v14  }
0x9e: {  	vm3 =	vgt.f32 v21, v24;
	vm2 =	vgt.f32 v27, v23;
	vm1 =	vgt.f32 v28, v22;
	v20 =	vld [tilespmem:s21+$0x60]  }
0x9f: {  	v24 =	vsel vm3, v21, v24;
	v23 =	vsel vm2, v27, v23;
	v22 =	vsel vm1, v28, v22;
	v21 =	vld [tilespmem:s21+$0x70];
	s21 =	sadd.s32 $0x100, s21  }
0xa0: {  	[tilespmem:$0x16800] =	vst v16  }
0xa1: {  	[tilespmem:$0x16810] =	vst v15  }
0xa2: {  	v13 =	vsel vm0, s19, v13;
	vm7 =	vgt.f32 v8, v24;
	[tilespmem:$0x16890] =	vst v14  }
0xa3: {  	v7 =	vsel vm3, s18, v7;
	[tilespmem:$0x16880] =	vst v13;
	v8 =	vsel vm7, v8, v24  }
0xa4: {  	vm8 =	vgt.f32 v11, v23;
	v7 =	vsel vm7, s19, v7;
	[tilespmem:$0x16820] =	vst v8  }
0xa5: {  	v6 =	vsel vm2, s18, v6;
	v60 =	vsel vm8, v11, v23;
	[tilespmem:$0x168A0] =	vst v7  }
0xa6: {  	vm9 =	vgt.f32 v12, v22;
	vm10 =	vgt.f32 v19, v9;
	v6 =	vsel vm8, s19, v6;
	[tilespmem:$0x16830] =	vst v60  }
0xa7: {  	v5 =	vsel vm1, s18, v5;
	v61 =	vsel vm9, v12, v22;
	v62 =	vsel vm10, v19, v9;
	[tilespmem:$0x168B0] =	vst v6  }
0xa8: {  	vm11 =	vgt.f32 v17, v4;
	v5 =	vsel vm9, s19, v5;
	vm12 =	vgt.f32 v10, v62;
	[tilespmem:$0x16840] =	vst v61  }
0xa9: {  	v3 =	vsel vm10, s18, v3;
	v4 =	vsel vm11, v17, v4;
	[tilespmem:$0x168C0] =	vst v5;
	v63 =	vsel vm12, v10, v62  }
0xaa: {  	vm13 =	vgt.f32 v18, v1;
	vm14 =	vgt.f32 v20, v4;
	v3 =	vsel vm12, s19, v3;
	[tilespmem:$0x16850] =	vst v63  }
0xab: {  	v2 =	vsel vm11, s18, v2;
	v1 =	vsel vm13, v18, v1;
	v4 =	vsel vm14, v20, v4;
	[tilespmem:$0x168D0] =	vst v3  }
0xac: {  	vm15 =	vgt.f32 v21, v1;
	v2 =	vsel vm14, s19, v2;
	[tilespmem:$0x16860] =	vst v4  }
0xad: {  	v0 =	vsel vm13, s18, v0;
	v1 =	vsel vm15, v21, v1;
	[tilespmem:$0x168E0] =	vst v2  }
0xae: {  	v0 =	vsel vm15, s19, v0;
	[tilespmem:$0x16870] =	vst v1  }
0xaf: {  	[tilespmem:$0x168F0] =	vst v0  }
0xb0: {  	[hbm4b:s7+s2] =	stream.linear.scatter [tilespmem:s14], [sflag:$0x3], $0x80, $0x38;
	[tilespmem:$0x16900] =	vst v63  }
0xb1: {  	s17 =	sadd.s32 $0x1, s17;
	_ =	swait.ge [sflag:s15], $0x80  }
0xb2: {  	p0 =	sne.s32 s17, s9;
	[sflag:s15] =	ssyncset.done $0x0  }
.Ltmp4:
0xb3: {  	[sflag:s15] =	ssyncadd.s32 $0xFFFFFF80;
	(pc) =	sbr.rel @p0 .LBB2_1-.Ltmp4, $4  }
0xb4: {  	[hbm4b:s8+s2] =	stream.linear.scatter [tilespmem:s16], [sflag:$0x3], $0x80, $0x38;
	[tilespmem:$0x16900] =	vst v63  }
0xb5: {  	_ =	swait.ge [sflag:s15], $0x80  }
0xb6: {  	[sflag:s15] =	ssyncset.done $0x0  }
0xb7: {  	[sflag:s15] =	ssyncadd.s32 $0xFFFFFF80  }
0xb8: {  	_ =	sfence.sel $0x180000  }
0xb9: {  	[bflag:$0x0] =	sbarrier.arrive $0xFFFF  }
0xba: {  	p0 =	sne.s32 s0, $0x0;
	_ =	strace $0x90000047  }
0xbb: {  	s0 =	sadd.s32 @!p0 $0x100000, s1;
	[bflag:$0x2] =	sbarrier.arrive $0xFFFF  }
0xbc: {  	[sflag:s0] =	ssyncadd.tile.s32 @!p0 $0x1;
	_ =	shalt  }
.Lfunc_end2:
_tile_overlayer_lowered:
.L_overlay_start_2:
0xbd: {  	(tag) =	ssettag $0x2  }
0xbe: {  	s0 =	rddreg [dreg:$0x0];
	s2 =	stileid.u32  }
0xbf: {  	s1 =	rddreg [dreg:$0x1];
	p0 =	sne.s32 s2, $0x0  }
0xc0: {  	s3 =	rddreg [dreg:$0x2];
	[bflag:$0x3] =	sbarrier.arrive $0xFFFF;
	s2 =	simm.s32 @!p0 $0x1C03  }
0xc1: {  	[timem:s3], [sflag:s2] =	dma.local @!p0 [hbm:s0], s1  }
0xc2: {  	s0 =	simm.s32 @!p0 $0x3  }
0xc3: {  	_ =	swait.ge @!p0 [sflag:s0], s1  }
0xc4: {  	s1 =	ssub.s32 @!p0 $0x0, s1;
	[sflag:s0] =	ssyncset.done @!p0 $0x0  }
0xc5: {  	[sflag:s0] =	ssyncadd.s32 @!p0 s1  }
0xc6: {  	[bflag:$0x3] =	sbarrier.arrive $0xFFFF  }
0xc7: {  	_ =	shalt  }

</sc_bundles>
